<compile_context>
chip_gen: v7x
topology: tpu7x:2x2x1
jax: 0.10.2.dev20260603
libtpu: 0.0.44.dev20260713+nightly
codegen_flags: <defaults>
</compile_context>

<pallas_src>
import functools

import jax
import jax.numpy as jnp
from jax import lax
from jax.experimental import pallas as pl
from jax.experimental.pallas import tpu as pltpu
from jax.experimental.pallas import tpu_sc as plsc

N = 10000
E = 320000
D = 128
LANES = 16
NC = 2
NS = 16
NW = NC * NS
CHUNK = 128
NCHUNK = E // CHUNK
IBLK = 10
TBLK = NCHUNK // IBLK
FULLW = TBLK % NW
N_PAD = 10240
RPW = N_PAD // NS
ZROWS = 8


def _sc_body(x_hbm, ei_hbm, s0_hbm, s1_hbm, d0_hbm, d1_hbm,
             idx_s, idx_d, rows0, rows1, ones, zbuf, zdeg, s_sh, deg_sh,
             sem_g0, sem_g1, sem_s0, sem_s1, sem_o0, sem_o1):
    c = lax.axis_index("c")
    s = lax.axis_index("s")
    wid = c * NS + s
    rows = (rows0, rows1)
    sem_g = (sem_g0, sem_g1)
    sem_s = (sem_s0, sem_s1)
    sem_o = (sem_o0, sem_o1)

    def zbuf_body(i, _):
        zbuf[i // 8, pl.ds((i % 8) * LANES, LANES)] = jnp.zeros((LANES,), jnp.float32)
        return 0
    lax.fori_loop(0, ZROWS * 8, zbuf_body, 0)

    def zdeg_body(i, _):
        zdeg[i] = jnp.zeros((LANES,), jnp.float32)
        return 0
    lax.fori_loop(0, 16, zdeg_body, 0)

    def ones_body(i, _):
        ones[i] = jnp.ones((LANES,), jnp.float32)
        return 0
    lax.fori_loop(0, CHUNK, ones_body, 0)

    def z_s(k, _):
        pltpu.sync_copy(zbuf, s_sh.at[pl.ds(s * RPW + k * ZROWS, ZROWS)])
        return 0
    lax.fori_loop(0, RPW // ZROWS, z_s, 0)

    def z_d(k, _):
        pltpu.sync_copy(zdeg, deg_sh.at[pl.ds(s * RPW + k * 16, 16)])
        return 0
    lax.fori_loop(0, RPW // 16, z_d, 0)
    plsc.subcore_barrier()

    def block_body(b, _):
        base = (wid + b * NW) * IBLK * CHUNK
        pltpu.sync_copy(ei_hbm.at[0, pl.ds(base, IBLK * CHUNK)], idx_s)
        pltpu.sync_copy(ei_hbm.at[1, pl.ds(base, IBLK * CHUNK)], idx_d)
        g = [None, None]
        sc = [None, None]
        oc = [None, None]
        g[0] = pltpu.async_copy(
            x_hbm.at[idx_s.at[pl.ds(0, CHUNK)]], rows0, sem_g0)
        for j in range(IBLK):
            p = j & 1
            q = 1 - p
            g[p].wait()
            if sc[q] is not None:
                sc[q].wait()
                oc[q].wait()
            if j + 1 < IBLK:
                g[q] = pltpu.async_copy(
                    x_hbm.at[idx_s.at[pl.ds((j + 1) * CHUNK, CHUNK)]],
                    rows[q], sem_g[q])
            sc[p] = pltpu.async_copy(
                rows[p], s_sh.at[idx_d.at[pl.ds(j * CHUNK, CHUNK)]],
                sem_s[p], add=True)
            oc[p] = pltpu.async_copy(
                ones, deg_sh.at[idx_d.at[pl.ds(j * CHUNK, CHUNK)]],
                sem_o[p], add=True)
        last = (IBLK - 1) & 1
        sc[last].wait()
        oc[last].wait()
        return 0
    nb = jnp.where(wid < FULLW, TBLK // NW + 1, TBLK // NW)
    lax.fori_loop(0, nb, block_body, 0)
    plsc.subcore_barrier()

    @pl.when(c == 0)
    def _():
        pltpu.sync_copy(s_sh.at[pl.ds(s * RPW, RPW)],
                        s0_hbm.at[pl.ds(s * RPW, RPW)])
        pltpu.sync_copy(deg_sh.at[pl.ds(s * RPW, RPW)],
                        d0_hbm.at[pl.ds(s * RPW, RPW)])

    @pl.when(c == 1)
    def _():
        pltpu.sync_copy(s_sh.at[pl.ds(s * RPW, RPW)],
                        s1_hbm.at[pl.ds(s * RPW, RPW)])
        pltpu.sync_copy(deg_sh.at[pl.ds(s * RPW, RPW)],
                        d1_hbm.at[pl.ds(s * RPW, RPW)])


@functools.lru_cache(maxsize=1)
def _make_sc_segsum():
  return functools.partial(
    pl.kernel,
    out_type=(
        jax.ShapeDtypeStruct((N_PAD, D), jnp.float32),
        jax.ShapeDtypeStruct((N_PAD, D), jnp.float32),
        jax.ShapeDtypeStruct((N_PAD, LANES), jnp.float32),
        jax.ShapeDtypeStruct((N_PAD, LANES), jnp.float32),
    ),
    mesh=plsc.VectorSubcoreMesh(core_axis_name="c", subcore_axis_name="s",
                                num_cores=NC, num_subcores=NS),
    scratch_types=[
        pltpu.VMEM((IBLK * CHUNK,), jnp.int32),
        pltpu.VMEM((IBLK * CHUNK,), jnp.int32),
        pltpu.VMEM((CHUNK, D), jnp.float32),
        pltpu.VMEM((CHUNK, D), jnp.float32),
        pltpu.VMEM((CHUNK, LANES), jnp.float32),
        pltpu.VMEM((ZROWS, D), jnp.float32),
        pltpu.VMEM((16, LANES), jnp.float32),
        pltpu.VMEM_SHARED((N_PAD, D), jnp.float32),
        pltpu.VMEM_SHARED((N_PAD, LANES), jnp.float32),
        pltpu.SemaphoreType.DMA,
        pltpu.SemaphoreType.DMA,
        pltpu.SemaphoreType.DMA,
        pltpu.SemaphoreType.DMA,
        pltpu.SemaphoreType.DMA,
        pltpu.SemaphoreType.DMA,
    ],
    compiler_params=pltpu.CompilerParams(use_tc_tiling_on_sc=False),
  )(_sc_body)


def _tc_a_body(x_ref, we_ref, be_ref, wn_ref, bn_ref, z_ref, m1t_ref):
    w1 = we_ref[:, :D]
    w2 = we_ref[:, D:]
    wnt = wn_ref[...].T
    zx = jnp.dot(x_ref[...], w2.T, preferred_element_type=jnp.float32) + be_ref[...]
    z_ref[...] = jnp.dot(zx, wnt, preferred_element_type=jnp.float32) + bn_ref[...]
    m1t_ref[...] = jnp.dot(w1.T, wnt, preferred_element_type=jnp.float32)


def _tc_a(x, w_edge, b_edge, w_node, b_node):
    blk = 1000
    row_spec = pl.BlockSpec((blk, D), lambda i: (i, 0))
    full = lambda a, b: pl.BlockSpec((a, b), lambda i: (0, 0))
    return pl.pallas_call(
        _tc_a_body,
        grid=(N // blk,),
        in_specs=[row_spec, full(D, 2 * D), full(1, D), full(D, D), full(1, D)],
        out_specs=[row_spec, full(D, D)],
        out_shape=[
            jax.ShapeDtypeStruct((N, D), jnp.float32),
            jax.ShapeDtypeStruct((D, D), jnp.float32),
        ],
    )(x, w_edge, b_edge, w_node, b_node)


def _tc_b_body(x_ref, s0_ref, s1_ref, d0_ref, d1_ref, z_ref, m1t_ref, out_ref):
    deg = d0_ref[:, 0:1] + d1_ref[:, 0:1]
    inv = 1.0 / jnp.maximum(deg, 1.0)
    mean_s = (s0_ref[...] + s1_ref[...]) * inv
    h = jnp.dot(mean_s, m1t_ref[...], preferred_element_type=jnp.float32) + z_ref[...]
    out_ref[...] = jnp.where(deg > 0.0, h, x_ref[...])


def _tc_b(x, s0, s1, d0, d1, z, m1t):
    blk = 1000
    row_spec = pl.BlockSpec((blk, D), lambda i: (i, 0))
    deg_spec = pl.BlockSpec((blk, LANES), lambda i: (i, 0))
    full = lambda a, b: pl.BlockSpec((a, b), lambda i: (0, 0))
    return pl.pallas_call(
        _tc_b_body,
        grid=(N // blk,),
        in_specs=[row_spec, row_spec, row_spec, deg_spec, deg_spec,
                  row_spec, full(D, D)],
        out_specs=row_spec,
        out_shape=jax.ShapeDtypeStruct((N, D), jnp.float32),
    )(x, s0, s1, d0, d1, z, m1t)


def kernel(node_inputs, edge_index, W_edge, b_edge, W_node, b_node):
    s0, s1, d0, d1 = _make_sc_segsum()(node_inputs, edge_index)
    z, m1t = _tc_a(node_inputs, W_edge, b_edge.reshape(1, D),
                   W_node, b_node.reshape(1, D))
    return _tc_b(node_inputs, s0, s1, d0, d1, z, m1t)

# --- scband reference (transcript-rebuilt; emitter-appended) ---
"""Pipeline reference for scband-edge-gnn-71365176590746 (READ-ONLY COPY).

The authoritative reference and input builder live on the scoring server;
editing this copy changes nothing except your own understanding.
"""

import jax, jax.numpy as jnp
import numpy as np

N_NODES = 10000
N_EDGES = 320000
D_NODE = 128   # node_in_feats
D_EDGE = 128   # edge_in_feats (output of edge fc)
D_HID = 128    # hidden_size (output of node fc)


def setup_inputs(seed: int = 0) -> dict:
    key = jax.random.key(seed)
    k1, k2, k3, k4 = jax.random.split(key, 4)
    node_inputs = jax.random.normal(k1, (N_NODES, D_NODE), dtype=jnp.float32)
    edge_index = jax.random.randint(k2, (2, N_EDGES), 0, N_NODES, dtype=jnp.int32)
    # EdgeUpdate.fc: Linear(node_in_feats*2 -> edge_in_feats)
    W_edge = jax.random.normal(k3, (D_EDGE, 2 * D_NODE), dtype=jnp.float32) * 0.02
    b_edge = jnp.zeros((D_EDGE,), dtype=jnp.float32)
    # NodeUpdate.fc: Linear(edge_in_feats -> hidden_size)
    W_node = jax.random.normal(k4, (D_HID, D_EDGE), dtype=jnp.float32) * 0.02
    b_node = jnp.zeros((D_HID,), dtype=jnp.float32)
    return {
        "node_inputs": node_inputs,
        "edge_index": edge_index,
        "W_edge": W_edge,
        "b_edge": b_edge,
        "W_node": W_node,
        "b_node": b_node,
    }


def reference(node_inputs, edge_index, W_edge, b_edge, W_node, b_node):
    src = edge_index[0]
    dst = edge_index[1]
    n = node_inputs.shape[0]
    # apply_edges: h_e = fc(cat([h_src, h_dst], dim=1))
    h_src = jnp.take(node_inputs, src, axis=0)
    h_dst = jnp.take(node_inputs, dst, axis=0)
    h_cat = jnp.concatenate([h_src, h_dst], axis=1)
    e_msg = h_cat @ W_edge.T + b_edge
    # update_all with copy_e + mean reduce over mailbox (incoming edges per dst)
    msg_sum = jax.ops.segment_sum(e_msg, dst, num_segments=n)
    deg = jax.ops.segment_sum(jnp.ones((dst.shape[0],), dtype=e_msg.dtype), dst, num_segments=n)
    mean_msg = msg_sum / jnp.maximum(deg, 1.0)[:, None]
    h_new = mean_msg @ W_node.T + b_node
    # DGL update_all only updates nodes that received messages; zero in-degree
    # nodes keep their previous ndata['h'] (= node_inputs, same dim here)
    out = jnp.where((deg > 0)[:, None], h_new, node_inputs)
    return out

if __name__ == "__main__":
    import jax
    _d = setup_inputs()
    print(jax.jit(kernel)(*tuple(_d.values())))

</pallas_src>

<mosaic_0001>
#map = affine_map<(d0, d1) -> (0, 0)>
module attributes {stable_mosaic.version = 14 : i64} {
  func.func @_sc_body(%arg0: i32, %arg1: i32, %arg2: memref<10000x128xf32, #tpu.memory_space<hbm>>, %arg3: memref<2x320000xi32, #tpu.memory_space<hbm>>, %arg4: memref<10240x128xf32, #tpu.memory_space<hbm>>, %arg5: memref<10240x128xf32, #tpu.memory_space<hbm>>, %arg6: memref<10240x16xf32, #tpu.memory_space<hbm>>, %arg7: memref<10240x16xf32, #tpu.memory_space<hbm>>, %arg8: memref<1280xi32, #tpu.memory_space<vmem>>, %arg9: memref<1280xi32, #tpu.memory_space<vmem>>, %arg10: memref<128x128xf32, #tpu.memory_space<vmem>>, %arg11: memref<128x128xf32, #tpu.memory_space<vmem>>, %arg12: memref<128x16xf32, #tpu.memory_space<vmem>>, %arg13: memref<8x128xf32, #tpu.memory_space<vmem>>, %arg14: memref<16x16xf32, #tpu.memory_space<vmem>>, %arg15: memref<10240x128xf32, #tpu.memory_space<vmem_shared>>, %arg16: memref<10240x16xf32, #tpu.memory_space<vmem_shared>>, %arg17: memref<!tpu.dma_semaphore, #tpu.memory_space<semaphore_mem>>, %arg18: memref<!tpu.dma_semaphore, #tpu.memory_space<semaphore_mem>>, %arg19: memref<!tpu.dma_semaphore, #tpu.memory_space<semaphore_mem>>, %arg20: memref<!tpu.dma_semaphore, #tpu.memory_space<semaphore_mem>>, %arg21: memref<!tpu.dma_semaphore, #tpu.memory_space<semaphore_mem>>, %arg22: memref<!tpu.dma_semaphore, #tpu.memory_space<semaphore_mem>>) attributes {dimension_semantics = [#tpu.dimension_semantics<core_parallel>, #tpu.dimension_semantics<subcore_parallel>], iteration_bounds = array<i64: 2, 16>, scalar_prefetch = 0 : i64, scratch_operands = 15 : i64, tpu.core_type = #tpu.core_type<sc_vector_subcore>, window_params = [{transform_indices = #map}, {transform_indices = #map}, {transform_indices = #map}, {transform_indices = #map}, {transform_indices = #map}, {transform_indices = #map}]} {
    %mul3A = arith.constant 16 : i32
    %mul3A_0 = arith.muli %arg0, %mul3A : i32
    %add3A = arith.addi %mul3A_0, %arg1 : i32
    %scan3A = arith.constant 0 : i32
    %scan3A_1 = arith.constant 0 : i32
    %scan3A_2 = arith.constant 64 : i32
    %scan3A_3 = arith.addi %scan3A_1, %scan3A_2 : i32
    %scan3A_4 = arith.constant 1 : i32
    %scan3A_5 = scf.for %scan3A_56 = %scan3A_1 to %scan3A_3 step %scan3A_4 iter_args(%scan3A_57 = %scan3A) -> (i32)  : i32 {
      %broadcast_in_dim3A = arith.constant 0.000000e+00 : f32
      %broadcast_in_dim3A_58 = vector.broadcast %broadcast_in_dim3A : f32 to vector<16xf32>
      %jit3A_59 = arith.constant 8 : i32
      %div3A = arith.divsi %scan3A_56, %jit3A_59 : i32
      %sign3A = arith.constant 0 : i32
      %sign3A_60 = arith.cmpi sgt, %scan3A_56, %sign3A : i32
      %sign3A_61 = arith.extui %sign3A_60 : i1 to i32
      %sign3A_62 = arith.constant 0 : i32
      %sign3A_63 = arith.cmpi slt, %scan3A_56, %sign3A_62 : i32
      %sign3A_64 = arith.extui %sign3A_63 : i1 to i32
      %sign3A_65 = arith.subi %sign3A_61, %sign3A_64 : i32
      %sign3A_66 = arith.constant 0 : i32
      %sign3A_67 = arith.cmpi sgt, %jit3A_59, %sign3A_66 : i32
      %sign3A_68 = arith.extui %sign3A_67 : i1 to i32
      %sign3A_69 = arith.constant 0 : i32
      %sign3A_70 = arith.cmpi slt, %jit3A_59, %sign3A_69 : i32
      %sign3A_71 = arith.extui %sign3A_70 : i1 to i32
      %sign3A_72 = arith.subi %sign3A_68, %sign3A_71 : i32
      %ne3A = arith.cmpi ne, %sign3A_65, %sign3A_72 : i32
      %rem3A = arith.remsi %scan3A_56, %jit3A_59 : i32
      %ne3A_73 = arith.constant 0 : i32
      %ne3A_74 = arith.cmpi ne, %rem3A, %ne3A_73 : i32
      %and3A = arith.andi %ne3A, %ne3A_74 : i1
      %sub3A = arith.constant 1 : i32
      %sub3A_75 = arith.subi %div3A, %sub3A : i32
      %select_n3A_76 = arith.select %and3A, %sub3A_75, %div3A : i32
      %jit3A_77 = arith.constant 8 : i32
      %eq3A_78 = arith.constant 0 : i32
      %eq3A_79 = arith.cmpi eq, %jit3A_77, %eq3A_78 : i32
      %jit3A_80 = arith.constant 1 : i32
      %select_n3A_81 = arith.select %eq3A_79, %jit3A_80, %jit3A_77 : i32
      %rem3A_82 = arith.remsi %scan3A_56, %select_n3A_81 : i32
      %ne3A_83 = arith.constant 0 : i32
      %ne3A_84 = arith.cmpi ne, %rem3A_82, %ne3A_83 : i32
      %lt3A_85 = arith.constant 0 : i32
      %lt3A_86 = arith.cmpi slt, %rem3A_82, %lt3A_85 : i32
      %lt3A_87 = arith.constant 0 : i32
      %lt3A_88 = arith.cmpi slt, %select_n3A_81, %lt3A_87 : i32
      %ne3A_89 = arith.xori %lt3A_86, %lt3A_88 : i1
      %and3A_90 = arith.andi %ne3A_89, %ne3A_84 : i1
      %add3A_91 = arith.addi %rem3A_82, %select_n3A_81 : i32
      %select_n3A_92 = arith.select %and3A_90, %add3A_91, %rem3A_82 : i32
      %mul3A_93 = arith.constant 16 : i32
      %mul3A_94 = arith.muli %select_n3A_92, %mul3A_93 : i32
      %swap3A = arith.index_cast %select_n3A_76 : i32 to index
      %swap3A_95 = arith.index_cast %mul3A_94 : i32 to index
      %swap3A_96 = tpu.vector_load %arg13[%swap3A, %swap3A_95] {strides = array<i32>} : memref<8x128xf32, #tpu.memory_space<vmem>>, vector<1x16xf32>,
      %swap3A_97 = vector.shape_cast %swap3A_96 : vector<1x16xf32> to vector<16xf32>
      %swap3A_98 = vector.shape_cast %broadcast_in_dim3A_58 : vector<16xf32> to vector<1x16xf32>
      tpu.vector_store %arg13[%swap3A, %swap3A_95], %swap3A_98 {strides = array<i32>} : memref<8x128xf32, #tpu.memory_space<vmem>>, vector<1x16xf32>,
      %scan3A_99 = arith.constant 0 : i32
      scf.yield %scan3A_99 : i32
    }
    %scan3A_6 = arith.constant 64 : i32
    %scan3A_7 = arith.constant 0 : i32
    %scan3A_8 = arith.constant 0 : i32
    %scan3A_9 = arith.constant 16 : i32
    %scan3A_10 = arith.addi %scan3A_8, %scan3A_9 : i32
    %scan3A_11 = arith.constant 1 : i32
    %scan3A_12 = scf.for %scan3A_56 = %scan3A_8 to %scan3A_10 step %scan3A_11 iter_args(%scan3A_57 = %scan3A_7) -> (i32)  : i32 {
      %broadcast_in_dim3A = arith.constant 0.000000e+00 : f32
      %broadcast_in_dim3A_58 = vector.broadcast %broadcast_in_dim3A : f32 to vector<16xf32>
      %swap3A = arith.index_cast %scan3A_56 : i32 to index
      %swap3A_59 = arith.constant 0 : index
      %swap3A_60 = tpu.vector_load %arg14[%swap3A, %swap3A_59] {strides = array<i32>} : memref<16x16xf32, #tpu.memory_space<vmem>>, vector<1x16xf32>,
      %swap3A_61 = vector.shape_cast %swap3A_60 : vector<1x16xf32> to vector<16xf32>
      %swap3A_62 = vector.shape_cast %broadcast_in_dim3A_58 : vector<16xf32> to vector<1x16xf32>
      tpu.vector_store %arg14[%swap3A, %swap3A_59], %swap3A_62 {strides = array<i32>} : memref<16x16xf32, #tpu.memory_space<vmem>>, vector<1x16xf32>,
      %scan3A_63 = arith.constant 0 : i32
      scf.yield %scan3A_63 : i32
    }
    %scan3A_13 = arith.constant 16 : i32
    %scan3A_14 = arith.constant 0 : i32
    %scan3A_15 = arith.constant 0 : i32
    %scan3A_16 = arith.constant 128 : i32
    %scan3A_17 = arith.addi %scan3A_15, %scan3A_16 : i32
    %scan3A_18 = arith.constant 1 : i32
    %scan3A_19 = scf.for %scan3A_56 = %scan3A_15 to %scan3A_17 step %scan3A_18 iter_args(%scan3A_57 = %scan3A_14) -> (i32)  : i32 {
      %broadcast_in_dim3A = arith.constant 1.000000e+00 : f32
      %broadcast_in_dim3A_58 = vector.broadcast %broadcast_in_dim3A : f32 to vector<16xf32>
      %swap3A = arith.index_cast %scan3A_56 : i32 to index
      %swap3A_59 = arith.constant 0 : index
      %swap3A_60 = tpu.vector_load %arg12[%swap3A, %swap3A_59] {strides = array<i32>} : memref<128x16xf32, #tpu.memory_space<vmem>>, vector<1x16xf32>,
      %swap3A_61 = vector.shape_cast %swap3A_60 : vector<1x16xf32> to vector<16xf32>
      %swap3A_62 = vector.shape_cast %broadcast_in_dim3A_58 : vector<16xf32> to vector<1x16xf32>
      tpu.vector_store %arg12[%swap3A, %swap3A_59], %swap3A_62 {strides = array<i32>} : memref<128x16xf32, #tpu.memory_space<vmem>>, vector<1x16xf32>,
      %scan3A_63 = arith.constant 0 : i32
      scf.yield %scan3A_63 : i32
    }
    %scan3A_20 = arith.constant 128 : i32
    %scan3A_21 = arith.constant 0 : i32
    %scan3A_22 = arith.constant 0 : i32
    %scan3A_23 = arith.constant 80 : i32
    %scan3A_24 = arith.addi %scan3A_22, %scan3A_23 : i32
    %scan3A_25 = arith.constant 1 : i32
    %scan3A_26 = scf.for %scan3A_56 = %scan3A_22 to %scan3A_24 step %scan3A_25 iter_args(%scan3A_57 = %scan3A_21) -> (i32)  : i32 {
      %mul3A_58 = arith.constant 640 : i32
      %mul3A_59 = arith.muli %arg1, %mul3A_58 : i32
      %mul3A_60 = arith.constant 8 : i32
      %mul3A_61 = arith.muli %scan3A_56, %mul3A_60 : i32
      %add3A_62 = arith.addi %mul3A_59, %mul3A_61 : i32
      "tpu.region"() ({
        %run_scoped3A = tpu.sem_alloc : memref<!tpu.dma_semaphore, #tpu.memory_space<semaphore_mem>>
        %dma_start3A = arith.constant 0 : i32
        %dma_start3A_64 = tpu.memref_slice %arg15[%add3A_62, %dma_start3A] : memref<10240x128xf32, #tpu.memory_space<vmem_shared>> -> memref<8x128xf32, #tpu.memory_space<vmem_shared>>
        %dma_start3A_65 = arith.constant 0 : i32
        %dma_start3A_66 = tpu.memref_slice %arg15[%add3A_62, %dma_start3A_65] : memref<10240x128xf32, #tpu.memory_space<vmem_shared>> -> memref<8x128xf32, #tpu.memory_space<vmem_shared>>
        tpu.enqueue_dma source(%arg13 : memref<8x128xf32, #tpu.memory_space<vmem>>) target(%dma_start3A_66 : memref<8x128xf32, #tpu.memory_space<vmem_shared>>) target_semaphore(%run_scoped3A : memref<!tpu.dma_semaphore, #tpu.memory_space<semaphore_mem>>)
        %dma_wait3A = arith.constant 0 : i32
        %dma_wait3A_67 = tpu.memref_slice %arg15[%add3A_62, %dma_wait3A] : memref<10240x128xf32, #tpu.memory_space<vmem_shared>> -> memref<8x128xf32, #tpu.memory_space<vmem_shared>>
        %dma_wait3A_68 = arith.constant 0 : i32
        %dma_wait3A_69 = tpu.memref_slice %arg15[%add3A_62, %dma_wait3A_68] : memref<10240x128xf32, #tpu.memory_space<vmem_shared>> -> memref<8x128xf32, #tpu.memory_space<vmem_shared>>
        tpu.wait_dma2 semaphore(%run_scoped3A : memref<!tpu.dma_semaphore, #tpu.memory_space<semaphore_mem>>) src(%arg13 : memref<8x128xf32, #tpu.memory_space<vmem>>) dst(%dma_wait3A_69 : memref<8x128xf32, #tpu.memory_space<vmem_shared>>)
        tpu.yield
      }) : () -> ()
      %scan3A_63 = arith.constant 0 : i32
      scf.yield %scan3A_63 : i32
    }
    %scan3A_27 = arith.constant 80 : i32
    %scan3A_28 = arith.constant 0 : i32
    %scan3A_29 = arith.constant 0 : i32
    %scan3A_30 = arith.constant 40 : i32
    %scan3A_31 = arith.addi %scan3A_29, %scan3A_30 : i32
    %scan3A_32 = arith.constant 1 : i32
    %scan3A_33 = scf.for %scan3A_56 = %scan3A_29 to %scan3A_31 step %scan3A_32 iter_args(%scan3A_57 = %scan3A_28) -> (i32)  : i32 {
      %mul3A_58 = arith.constant 640 : i32
      %mul3A_59 = arith.muli %arg1, %mul3A_58 : i32
      %mul3A_60 = arith.constant 16 : i32
      %mul3A_61 = arith.muli %scan3A_56, %mul3A_60 : i32
      %add3A_62 = arith.addi %mul3A_59, %mul3A_61 : i32
      "tpu.region"() ({
        %run_scoped3A = tpu.sem_alloc : memref<!tpu.dma_semaphore, #tpu.memory_space<semaphore_mem>>
        %dma_start3A = arith.constant 0 : i32
        %dma_start3A_64 = tpu.memref_slice %arg16[%add3A_62, %dma_start3A] : memref<10240x16xf32, #tpu.memory_space<vmem_shared>> -> memref<16x16xf32, #tpu.memory_space<vmem_shared>>
        %dma_start3A_65 = arith.constant 0 : i32
        %dma_start3A_66 = tpu.memref_slice %arg16[%add3A_62, %dma_start3A_65] : memref<10240x16xf32, #tpu.memory_space<vmem_shared>> -> memref<16x16xf32, #tpu.memory_space<vmem_shared>>
        tpu.enqueue_dma source(%arg14 : memref<16x16xf32, #tpu.memory_space<vmem>>) target(%dma_start3A_66 : memref<16x16xf32, #tpu.memory_space<vmem_shared>>) target_semaphore(%run_scoped3A : memref<!tpu.dma_semaphore, #tpu.memory_space<semaphore_mem>>)
        %dma_wait3A = arith.constant 0 : i32
        %dma_wait3A_67 = tpu.memref_slice %arg16[%add3A_62, %dma_wait3A] : memref<10240x16xf32, #tpu.memory_space<vmem_shared>> -> memref<16x16xf32, #tpu.memory_space<vmem_shared>>
        %dma_wait3A_68 = arith.constant 0 : i32
        %dma_wait3A_69 = tpu.memref_slice %arg16[%add3A_62, %dma_wait3A_68] : memref<10240x16xf32, #tpu.memory_space<vmem_shared>> -> memref<16x16xf32, #tpu.memory_space<vmem_shared>>
        tpu.wait_dma2 semaphore(%run_scoped3A : memref<!tpu.dma_semaphore, #tpu.memory_space<semaphore_mem>>) src(%arg14 : memref<16x16xf32, #tpu.memory_space<vmem>>) dst(%dma_wait3A_69 : memref<16x16xf32, #tpu.memory_space<vmem_shared>>)
        tpu.yield
      }) : () -> ()
      %scan3A_63 = arith.constant 0 : i32
      scf.yield %scan3A_63 : i32
    }
    %scan3A_34 = arith.constant 40 : i32
    %barrier3A = arith.constant 0 : index
    tpu.barrier barrier_id(%barrier3A)
    %lt3A = arith.constant 26 : i32
    %lt3A_35 = arith.cmpi slt, %add3A, %lt3A : i32
    %jit3A = arith.constant 8 : i32
    %jit3A_36 = arith.constant 7 : i32
    %select_n3A = arith.select %lt3A_35, %jit3A, %jit3A_36 : i32
    %while3A = arith.constant 0 : i32
    %while3A_37 = arith.constant 0 : i32
    %while3A_38 = arith.subi %select_n3A, %while3A : i32
    %while3A_39 = arith.addi %while3A, %while3A_38 : i32
    %while3A_40 = arith.constant 1 : i32
    %while3A_41 = arith.divsi %while3A_38, %while3A_40 : i32
    %while3A_42 = arith.muli %while3A_41, %while3A_40 : i32
    %while3A_43 = arith.addi %while3A, %while3A_42 : i32
    %while3A_44 = arith.constant 1 : i32
    %while3A_45 = scf.for %while3A_56 = %while3A to %while3A_43 step %while3A_44 iter_args(%while3A_57 = %while3A_37) -> (i32)  : i32 {
      %mul3A_58 = arith.constant 32 : i32
      %mul3A_59 = arith.muli %while3A_56, %mul3A_58 : i32
      %add3A_60 = arith.addi %add3A, %mul3A_59 : i32
      %mul3A_61 = arith.constant 10 : i32
      %mul3A_62 = arith.muli %add3A_60, %mul3A_61 : i32
      %mul3A_63 = arith.constant 128 : i32
      %mul3A_64 = arith.muli %mul3A_62, %mul3A_63 : i32
      %run_scoped3A = arith.constant 0 : i32
      "tpu.region"() ({
        %run_scoped3A_365 = tpu.sem_alloc : memref<!tpu.dma_semaphore, #tpu.memory_space<semaphore_mem>>
        %dma_start3A_366 = tpu.memref_slice %arg3[%run_scoped3A, %mul3A_64] : memref<2x320000xi32, #tpu.memory_space<hbm>> -> memref<1x1280xi32, #tpu.memory_space<hbm>>
        %dma_start3A_367 = tpu.memref_squeeze %dma_start3A_366 : memref<1x1280xi32, #tpu.memory_space<hbm>> -> memref<1280xi32, #tpu.memory_space<hbm>>
        %dma_start3A_368 = tpu.memref_slice %arg3[%run_scoped3A, %mul3A_64] : memref<2x320000xi32, #tpu.memory_space<hbm>> -> memref<1x1280xi32, #tpu.memory_space<hbm>>
        %dma_start3A_369 = tpu.memref_squeeze %dma_start3A_368 : memref<1x1280xi32, #tpu.memory_space<hbm>> -> memref<1280xi32, #tpu.memory_space<hbm>>
        tpu.enqueue_dma source(%dma_start3A_369 : memref<1280xi32, #tpu.memory_space<hbm>>) target(%arg8 : memref<1280xi32, #tpu.memory_space<vmem>>) target_semaphore(%run_scoped3A_365 : memref<!tpu.dma_semaphore, #tpu.memory_space<semaphore_mem>>)
        %dma_wait3A_370 = tpu.memref_slice %arg3[%run_scoped3A, %mul3A_64] : memref<2x320000xi32, #tpu.memory_space<hbm>> -> memref<1x1280xi32, #tpu.memory_space<hbm>>
        %dma_wait3A_371 = tpu.memref_squeeze %dma_wait3A_370 : memref<1x1280xi32, #tpu.memory_space<hbm>> -> memref<1280xi32, #tpu.memory_space<hbm>>
        %dma_wait3A_372 = tpu.memref_slice %arg3[%run_scoped3A, %mul3A_64] : memref<2x320000xi32, #tpu.memory_space<hbm>> -> memref<1x1280xi32, #tpu.memory_space<hbm>>
        %dma_wait3A_373 = tpu.memref_squeeze %dma_wait3A_372 : memref<1x1280xi32, #tpu.memory_space<hbm>> -> memref<1280xi32, #tpu.memory_space<hbm>>
        tpu.wait_dma2 semaphore(%run_scoped3A_365 : memref<!tpu.dma_semaphore, #tpu.memory_space<semaphore_mem>>) src(%dma_wait3A_373 : memref<1280xi32, #tpu.memory_space<hbm>>) dst(%arg8 : memref<1280xi32, #tpu.memory_space<vmem>>)
        tpu.yield
      }) : () -> ()
      %run_scoped3A_65 = arith.constant 1 : i32
      "tpu.region"() ({
        %run_scoped3A_365 = tpu.sem_alloc : memref<!tpu.dma_semaphore, #tpu.memory_space<semaphore_mem>>
        %dma_start3A_366 = tpu.memref_slice %arg3[%run_scoped3A_65, %mul3A_64] : memref<2x320000xi32, #tpu.memory_space<hbm>> -> memref<1x1280xi32, #tpu.memory_space<hbm>>
        %dma_start3A_367 = tpu.memref_squeeze %dma_start3A_366 : memref<1x1280xi32, #tpu.memory_space<hbm>> -> memref<1280xi32, #tpu.memory_space<hbm>>
        %dma_start3A_368 = tpu.memref_slice %arg3[%run_scoped3A_65, %mul3A_64] : memref<2x320000xi32, #tpu.memory_space<hbm>> -> memref<1x1280xi32, #tpu.memory_space<hbm>>
        %dma_start3A_369 = tpu.memref_squeeze %dma_start3A_368 : memref<1x1280xi32, #tpu.memory_space<hbm>> -> memref<1280xi32, #tpu.memory_space<hbm>>
        tpu.enqueue_dma source(%dma_start3A_369 : memref<1280xi32, #tpu.memory_space<hbm>>) target(%arg9 : memref<1280xi32, #tpu.memory_space<vmem>>) target_semaphore(%run_scoped3A_365 : memref<!tpu.dma_semaphore, #tpu.memory_space<semaphore_mem>>)
        %dma_wait3A_370 = tpu.memref_slice %arg3[%run_scoped3A_65, %mul3A_64] : memref<2x320000xi32, #tpu.memory_space<hbm>> -> memref<1x1280xi32, #tpu.memory_space<hbm>>
        %dma_wait3A_371 = tpu.memref_squeeze %dma_wait3A_370 : memref<1x1280xi32, #tpu.memory_space<hbm>> -> memref<1280xi32, #tpu.memory_space<hbm>>
        %dma_wait3A_372 = tpu.memref_slice %arg3[%run_scoped3A_65, %mul3A_64] : memref<2x320000xi32, #tpu.memory_space<hbm>> -> memref<1x1280xi32, #tpu.memory_space<hbm>>
        %dma_wait3A_373 = tpu.memref_squeeze %dma_wait3A_372 : memref<1x1280xi32, #tpu.memory_space<hbm>> -> memref<1280xi32, #tpu.memory_space<hbm>>
        tpu.wait_dma2 semaphore(%run_scoped3A_365 : memref<!tpu.dma_semaphore, #tpu.memory_space<semaphore_mem>>) src(%dma_wait3A_373 : memref<1280xi32, #tpu.memory_space<hbm>>) dst(%arg9 : memref<1280xi32, #tpu.memory_space<vmem>>)
        tpu.yield
      }) : () -> ()
      %dma_start3A = arith.constant 0 : i32
      %dma_start3A_66 = tpu.memref_slice %arg8[%dma_start3A] : memref<1280xi32, #tpu.memory_space<vmem>> -> memref<128xi32, #tpu.memory_space<vmem>>
      %dma_start3A_67 = arith.constant 0 : i32
      %dma_start3A_68 = arith.constant 0 : i32
      %dma_start3A_69 = tpu.memref_slice %arg2[%dma_start3A_67, %dma_start3A_68] : memref<10000x128xf32, #tpu.memory_space<hbm>> -> memref<10000x128xf32, #tpu.memory_space<hbm>>
      tpu.enqueue_indirect_dma source(%dma_start3A_69 : memref<10000x128xf32, #tpu.memory_space<hbm>>) target(%arg10 : memref<128x128xf32, #tpu.memory_space<vmem>>) offsets(%dma_start3A_66 : memref<128xi32, #tpu.memory_space<vmem>>) semaphore(%arg17 : memref<!tpu.dma_semaphore, #tpu.memory_space<semaphore_mem>>)
      %dma_wait3A = arith.constant 0 : i32
      %dma_wait3A_70 = tpu.memref_slice %arg8[%dma_wait3A] : memref<1280xi32, #tpu.memory_space<vmem>> -> memref<128xi32, #tpu.memory_space<vmem>>
      %dma_wait3A_71 = arith.constant 0 : i32
      %dma_wait3A_72 = arith.constant 0 : i32
      %dma_wait3A_73 = tpu.memref_slice %arg2[%dma_wait3A_71, %dma_wait3A_72] : memref<10000x128xf32, #tpu.memory_space<hbm>> -> memref<10000x128xf32, #tpu.memory_space<hbm>>
      tpu.wait_indirect_dma semaphore(%arg17 : memref<!tpu.dma_semaphore, #tpu.memory_space<semaphore_mem>>) src(%dma_wait3A_73 : memref<10000x128xf32, #tpu.memory_space<hbm>>) dst(%arg10 : memref<128x128xf32, #tpu.memory_space<vmem>>)
      %dma_start3A_74 = arith.constant 128 : i32
      %dma_start3A_75 = tpu.memref_slice %arg8[%dma_start3A_74] : memref<1280xi32, #tpu.memory_space<vmem>> -> memref<128xi32, #tpu.memory_space<vmem>>
      %dma_start3A_76 = arith.constant 0 : i32
      %dma_start3A_77 = arith.constant 0 : i32
      %dma_start3A_78 = tpu.memref_slice %arg2[%dma_start3A_76, %dma_start3A_77] : memref<10000x128xf32, #tpu.memory_space<hbm>> -> memref<10000x128xf32, #tpu.memory_space<hbm>>
      tpu.enqueue_indirect_dma source(%dma_start3A_78 : memref<10000x128xf32, #tpu.memory_space<hbm>>) target(%arg11 : memref<128x128xf32, #tpu.memory_space<vmem>>) offsets(%dma_start3A_75 : memref<128xi32, #tpu.memory_space<vmem>>) semaphore(%arg18 : memref<!tpu.dma_semaphore, #tpu.memory_space<semaphore_mem>>)
      %dma_start3A_79 = arith.constant 0 : i32
      %dma_start3A_80 = tpu.memref_slice %arg9[%dma_start3A_79] : memref<1280xi32, #tpu.memory_space<vmem>> -> memref<128xi32, #tpu.memory_space<vmem>>
      %dma_start3A_81 = arith.constant 0 : i32
      %dma_start3A_82 = arith.constant 0 : i32
      %dma_start3A_83 = tpu.memref_slice %arg15[%dma_start3A_81, %dma_start3A_82] : memref<10240x128xf32, #tpu.memory_space<vmem_shared>> -> memref<10240x128xf32, #tpu.memory_space<vmem_shared>>
      tpu.enqueue_indirect_dma source(%arg10 : memref<128x128xf32, #tpu.memory_space<vmem>>) target(%dma_start3A_83 : memref<10240x128xf32, #tpu.memory_space<vmem_shared>>) offsets(%dma_start3A_80 : memref<128xi32, #tpu.memory_space<vmem>>) semaphore(%arg19 : memref<!tpu.dma_semaphore, #tpu.memory_space<semaphore_mem>>) {add = true}
      %dma_start3A_84 = arith.constant 0 : i32
      %dma_start3A_85 = tpu.memref_slice %arg9[%dma_start3A_84] : memref<1280xi32, #tpu.memory_space<vmem>> -> memref<128xi32, #tpu.memory_space<vmem>>
      %dma_start3A_86 = arith.constant 0 : i32
      %dma_start3A_87 = arith.constant 0 : i32
      %dma_start3A_88 = tpu.memref_slice %arg16[%dma_start3A_86, %dma_start3A_87] : memref<10240x16xf32, #tpu.memory_space<vmem_shared>> -> memref<10240x16xf32, #tpu.memory_space<vmem_shared>>
      tpu.enqueue_indirect_dma source(%arg12 : memref<128x16xf32, #tpu.memory_space<vmem>>) target(%dma_start3A_88 : memref<10240x16xf32, #tpu.memory_space<vmem_shared>>) offsets(%dma_start3A_85 : memref<128xi32, #tpu.memory_space<vmem>>) semaphore(%arg21 : memref<!tpu.dma_semaphore, #tpu.memory_space<semaphore_mem>>) {add = true}
      %dma_wait3A_89 = arith.constant 128 : i32
      %dma_wait3A_90 = tpu.memref_slice %arg8[%dma_wait3A_89] : memref<1280xi32, #tpu.memory_space<vmem>> -> memref<128xi32, #tpu.memory_space<vmem>>
      %dma_wait3A_91 = arith.constant 0 : i32
      %dma_wait3A_92 = arith.constant 0 : i32
      %dma_wait3A_93 = tpu.memref_slice %arg2[%dma_wait3A_91, %dma_wait3A_92] : memref<10000x128xf32, #tpu.memory_space<hbm>> -> memref<10000x128xf32, #tpu.memory_space<hbm>>
      tpu.wait_indirect_dma semaphore(%arg18 : memref<!tpu.dma_semaphore, #tpu.memory_space<semaphore_mem>>) src(%dma_wait3A_93 : memref<10000x128xf32, #tpu.memory_space<hbm>>) dst(%arg11 : memref<128x128xf32, #tpu.memory_space<vmem>>)
      %dma_wait3A_94 = arith.constant 0 : i32
      %dma_wait3A_95 = tpu.memref_slice %arg9[%dma_wait3A_94] : memref<1280xi32, #tpu.memory_space<vmem>> -> memref<128xi32, #tpu.memory_space<vmem>>
      %dma_wait3A_96 = arith.constant 0 : i32
      %dma_wait3A_97 = arith.constant 0 : i32
      %dma_wait3A_98 = tpu.memref_slice %arg15[%dma_wait3A_96, %dma_wait3A_97] : memref<10240x128xf32, #tpu.memory_space<vmem_shared>> -> memref<10240x128xf32, #tpu.memory_space<vmem_shared>>
      tpu.wait_indirect_dma semaphore(%arg19 : memref<!tpu.dma_semaphore, #tpu.memory_space<semaphore_mem>>) src(%arg10 : memref<128x128xf32, #tpu.memory_space<vmem>>) dst(%dma_wait3A_98 : memref<10240x128xf32, #tpu.memory_space<vmem_shared>>)
      %dma_wait3A_99 = arith.constant 0 : i32
      %dma_wait3A_100 = tpu.memref_slice %arg9[%dma_wait3A_99] : memref<1280xi32, #tpu.memory_space<vmem>> -> memref<128xi32, #tpu.memory_space<vmem>>
      %dma_wait3A_101 = arith.constant 0 : i32
      %dma_wait3A_102 = arith.constant 0 : i32
      %dma_wait3A_103 = tpu.memref_slice %arg16[%dma_wait3A_101, %dma_wait3A_102] : memref<10240x16xf32, #tpu.memory_space<vmem_shared>> -> memref<10240x16xf32, #tpu.memory_space<vmem_shared>>
      tpu.wait_indirect_dma semaphore(%arg21 : memref<!tpu.dma_semaphore, #tpu.memory_space<semaphore_mem>>) src(%arg12 : memref<128x16xf32, #tpu.memory_space<vmem>>) dst(%dma_wait3A_103 : memref<10240x16xf32, #tpu.memory_space<vmem_shared>>)
      %dma_start3A_104 = arith.constant 256 : i32
      %dma_start3A_105 = tpu.memref_slice %arg8[%dma_start3A_104] : memref<1280xi32, #tpu.memory_space<vmem>> -> memref<128xi32, #tpu.memory_space<vmem>>
      %dma_start3A_106 = arith.constant 0 : i32
      %dma_start3A_107 = arith.constant 0 : i32
      %dma_start3A_108 = tpu.memref_slice %arg2[%dma_start3A_106, %dma_start3A_107] : memref<10000x128xf32, #tpu.memory_space<hbm>> -> memref<10000x128xf32, #tpu.memory_space<hbm>>
      tpu.enqueue_indirect_dma source(%dma_start3A_108 : memref<10000x128xf32, #tpu.memory_space<hbm>>) target(%arg10 : memref<128x128xf32, #tpu.memory_space<vmem>>) offsets(%dma_start3A_105 : memref<128xi32, #tpu.memory_space<vmem>>) semaphore(%arg17 : memref<!tpu.dma_semaphore, #tpu.memory_space<semaphore_mem>>)
      %dma_start3A_109 = arith.constant 128 : i32
      %dma_start3A_110 = tpu.memref_slice %arg9[%dma_start3A_109] : memref<1280xi32, #tpu.memory_space<vmem>> -> memref<128xi32, #tpu.memory_space<vmem>>
      %dma_start3A_111 = arith.constant 0 : i32
      %dma_start3A_112 = arith.constant 0 : i32
      %dma_start3A_113 = tpu.memref_slice %arg15[%dma_start3A_111, %dma_start3A_112] : memref<10240x128xf32, #tpu.memory_space<vmem_shared>> -> memref<10240x128xf32, #tpu.memory_space<vmem_shared>>
      tpu.enqueue_indirect_dma source(%arg11 : memref<128x128xf32, #tpu.memory_space<vmem>>) target(%dma_start3A_113 : memref<10240x128xf32, #tpu.memory_space<vmem_shared>>) offsets(%dma_start3A_110 : memref<128xi32, #tpu.memory_space<vmem>>) semaphore(%arg20 : memref<!tpu.dma_semaphore, #tpu.memory_space<semaphore_mem>>) {add = true}
      %dma_start3A_114 = arith.constant 128 : i32
      %dma_start3A_115 = tpu.memref_slice %arg9[%dma_start3A_114] : memref<1280xi32, #tpu.memory_space<vmem>> -> memref<128xi32, #tpu.memory_space<vmem>>
      %dma_start3A_116 = arith.constant 0 : i32
      %dma_start3A_117 = arith.constant 0 : i32
      %dma_start3A_118 = tpu.memref_slice %arg16[%dma_start3A_116, %dma_start3A_117] : memref<10240x16xf32, #tpu.memory_space<vmem_shared>> -> memref<10240x16xf32, #tpu.memory_space<vmem_shared>>
      tpu.enqueue_indirect_dma source(%arg12 : memref<128x16xf32, #tpu.memory_space<vmem>>) target(%dma_start3A_118 : memref<10240x16xf32, #tpu.memory_space<vmem_shared>>) offsets(%dma_start3A_115 : memref<128xi32, #tpu.memory_space<vmem>>) semaphore(%arg22 : memref<!tpu.dma_semaphore, #tpu.memory_space<semaphore_mem>>) {add = true}
      %dma_wait3A_119 = arith.constant 256 : i32
      %dma_wait3A_120 = tpu.memref_slice %arg8[%dma_wait3A_119] : memref<1280xi32, #tpu.memory_space<vmem>> -> memref<128xi32, #tpu.memory_space<vmem>>
      %dma_wait3A_121 = arith.constant 0 : i32
      %dma_wait3A_122 = arith.constant 0 : i32
      %dma_wait3A_123 = tpu.memref_slice %arg2[%dma_wait3A_121, %dma_wait3A_122] : memref<10000x128xf32, #tpu.memory_space<hbm>> -> memref<10000x128xf32, #tpu.memory_space<hbm>>
      tpu.wait_indirect_dma semaphore(%arg17 : memref<!tpu.dma_semaphore, #tpu.memory_space<semaphore_mem>>) src(%dma_wait3A_123 : memref<10000x128xf32, #tpu.memory_space<hbm>>) dst(%arg10 : memref<128x128xf32, #tpu.memory_space<vmem>>)
      %dma_wait3A_124 = arith.constant 128 : i32
      %dma_wait3A_125 = tpu.memref_slice %arg9[%dma_wait3A_124] : memref<1280xi32, #tpu.memory_space<vmem>> -> memref<128xi32, #tpu.memory_space<vmem>>
      %dma_wait3A_126 = arith.constant 0 : i32
      %dma_wait3A_127 = arith.constant 0 : i32
      %dma_wait3A_128 = tpu.memref_slice %arg15[%dma_wait3A_126, %dma_wait3A_127] : memref<10240x128xf32, #tpu.memory_space<vmem_shared>> -> memref<10240x128xf32, #tpu.memory_space<vmem_shared>>
      tpu.wait_indirect_dma semaphore(%arg20 : memref<!tpu.dma_semaphore, #tpu.memory_space<semaphore_mem>>) src(%arg11 : memref<128x128xf32, #tpu.memory_space<vmem>>) dst(%dma_wait3A_128 : memref<10240x128xf32, #tpu.memory_space<vmem_shared>>)
      %dma_wait3A_129 = arith.constant 128 : i32
      %dma_wait3A_130 = tpu.memref_slice %arg9[%dma_wait3A_129] : memref<1280xi32, #tpu.memory_space<vmem>> -> memref<128xi32, #tpu.memory_space<vmem>>
      %dma_wait3A_131 = arith.constant 0 : i32
      %dma_wait3A_132 = arith.constant 0 : i32
      %dma_wait3A_133 = tpu.memref_slice %arg16[%dma_wait3A_131, %dma_wait3A_132] : memref<10240x16xf32, #tpu.memory_space<vmem_shared>> -> memref<10240x16xf32, #tpu.memory_space<vmem_shared>>
      tpu.wait_indirect_dma semaphore(%arg22 : memref<!tpu.dma_semaphore, #tpu.memory_space<semaphore_mem>>) src(%arg12 : memref<128x16xf32, #tpu.memory_space<vmem>>) dst(%dma_wait3A_133 : memref<10240x16xf32, #tpu.memory_space<vmem_shared>>)
      %dma_start3A_134 = arith.constant 384 : i32
      %dma_start3A_135 = tpu.memref_slice %arg8[%dma_start3A_134] : memref<1280xi32, #tpu.memory_space<vmem>> -> memref<128xi32, #tpu.memory_space<vmem>>
      %dma_start3A_136 = arith.constant 0 : i32
      %dma_start3A_137 = arith.constant 0 : i32
      %dma_start3A_138 = tpu.memref_slice %arg2[%dma_start3A_136, %dma_start3A_137] : memref<10000x128xf32, #tpu.memory_space<hbm>> -> memref<10000x128xf32, #tpu.memory_space<hbm>>
      tpu.enqueue_indirect_dma source(%dma_start3A_138 : memref<10000x128xf32, #tpu.memory_space<hbm>>) target(%arg11 : memref<128x128xf32, #tpu.memory_space<vmem>>) offsets(%dma_start3A_135 : memref<128xi32, #tpu.memory_space<vmem>>) semaphore(%arg18 : memref<!tpu.dma_semaphore, #tpu.memory_space<semaphore_mem>>)
      %dma_start3A_139 = arith.constant 256 : i32
      %dma_start3A_140 = tpu.memref_slice %arg9[%dma_start3A_139] : memref<1280xi32, #tpu.memory_space<vmem>> -> memref<128xi32, #tpu.memory_space<vmem>>
      %dma_start3A_141 = arith.constant 0 : i32
      %dma_start3A_142 = arith.constant 0 : i32
      %dma_start3A_143 = tpu.memref_slice %arg15[%dma_start3A_141, %dma_start3A_142] : memref<10240x128xf32, #tpu.memory_space<vmem_shared>> -> memref<10240x128xf32, #tpu.memory_space<vmem_shared>>
      tpu.enqueue_indirect_dma source(%arg10 : memref<128x128xf32, #tpu.memory_space<vmem>>) target(%dma_start3A_143 : memref<10240x128xf32, #tpu.memory_space<vmem_shared>>) offsets(%dma_start3A_140 : memref<128xi32, #tpu.memory_space<vmem>>) semaphore(%arg19 : memref<!tpu.dma_semaphore, #tpu.memory_space<semaphore_mem>>) {add = true}
      %dma_start3A_144 = arith.constant 256 : i32
      %dma_start3A_145 = tpu.memref_slice %arg9[%dma_start3A_144] : memref<1280xi32, #tpu.memory_space<vmem>> -> memref<128xi32, #tpu.memory_space<vmem>>
      %dma_start3A_146 = arith.constant 0 : i32
      %dma_start3A_147 = arith.constant 0 : i32
      %dma_start3A_148 = tpu.memref_slice %arg16[%dma_start3A_146, %dma_start3A_147] : memref<10240x16xf32, #tpu.memory_space<vmem_shared>> -> memref<10240x16xf32, #tpu.memory_space<vmem_shared>>
      tpu.enqueue_indirect_dma source(%arg12 : memref<128x16xf32, #tpu.memory_space<vmem>>) target(%dma_start3A_148 : memref<10240x16xf32, #tpu.memory_space<vmem_shared>>) offsets(%dma_start3A_145 : memref<128xi32, #tpu.memory_space<vmem>>) semaphore(%arg21 : memref<!tpu.dma_semaphore, #tpu.memory_space<semaphore_mem>>) {add = true}
      %dma_wait3A_149 = arith.constant 384 : i32
      %dma_wait3A_150 = tpu.memref_slice %arg8[%dma_wait3A_149] : memref<1280xi32, #tpu.memory_space<vmem>> -> memref<128xi32, #tpu.memory_space<vmem>>
      %dma_wait3A_151 = arith.constant 0 : i32
      %dma_wait3A_152 = arith.constant 0 : i32
      %dma_wait3A_153 = tpu.memref_slice %arg2[%dma_wait3A_151, %dma_wait3A_152] : memref<10000x128xf32, #tpu.memory_space<hbm>> -> memref<10000x128xf32, #tpu.memory_space<hbm>>
      tpu.wait_indirect_dma semaphore(%arg18 : memref<!tpu.dma_semaphore, #tpu.memory_space<semaphore_mem>>) src(%dma_wait3A_153 : memref<10000x128xf32, #tpu.memory_space<hbm>>) dst(%arg11 : memref<128x128xf32, #tpu.memory_space<vmem>>)
      %dma_wait3A_154 = arith.constant 256 : i32
      %dma_wait3A_155 = tpu.memref_slice %arg9[%dma_wait3A_154] : memref<1280xi32, #tpu.memory_space<vmem>> -> memref<128xi32, #tpu.memory_space<vmem>>
      %dma_wait3A_156 = arith.constant 0 : i32
      %dma_wait3A_157 = arith.constant 0 : i32
      %dma_wait3A_158 = tpu.memref_slice %arg15[%dma_wait3A_156, %dma_wait3A_157] : memref<10240x128xf32, #tpu.memory_space<vmem_shared>> -> memref<10240x128xf32, #tpu.memory_space<vmem_shared>>
      tpu.wait_indirect_dma semaphore(%arg19 : memref<!tpu.dma_semaphore, #tpu.memory_space<semaphore_mem>>) src(%arg10 : memref<128x128xf32, #tpu.memory_space<vmem>>) dst(%dma_wait3A_158 : memref<10240x128xf32, #tpu.memory_space<vmem_shared>>)
      %dma_wait3A_159 = arith.constant 256 : i32
      %dma_wait3A_160 = tpu.memref_slice %arg9[%dma_wait3A_159] : memref<1280xi32, #tpu.memory_space<vmem>> -> memref<128xi32, #tpu.memory_space<vmem>>
      %dma_wait3A_161 = arith.constant 0 : i32
      %dma_wait3A_162 = arith.constant 0 : i32
      %dma_wait3A_163 = tpu.memref_slice %arg16[%dma_wait3A_161, %dma_wait3A_162] : memref<10240x16xf32, #tpu.memory_space<vmem_shared>> -> memref<10240x16xf32, #tpu.memory_space<vmem_shared>>
      tpu.wait_indirect_dma semaphore(%arg21 : memref<!tpu.dma_semaphore, #tpu.memory_space<semaphore_mem>>) src(%arg12 : memref<128x16xf32, #tpu.memory_space<vmem>>) dst(%dma_wait3A_163 : memref<10240x16xf32, #tpu.memory_space<vmem_shared>>)
      %dma_start3A_164 = arith.constant 512 : i32
      %dma_start3A_165 = tpu.memref_slice %arg8[%dma_start3A_164] : memref<1280xi32, #tpu.memory_space<vmem>> -> memref<128xi32, #tpu.memory_space<vmem>>
      %dma_start3A_166 = arith.constant 0 : i32
      %dma_start3A_167 = arith.constant 0 : i32
      %dma_start3A_168 = tpu.memref_slice %arg2[%dma_start3A_166, %dma_start3A_167] : memref<10000x128xf32, #tpu.memory_space<hbm>> -> memref<10000x128xf32, #tpu.memory_space<hbm>>
      tpu.enqueue_indirect_dma source(%dma_start3A_168 : memref<10000x128xf32, #tpu.memory_space<hbm>>) target(%arg10 : memref<128x128xf32, #tpu.memory_space<vmem>>) offsets(%dma_start3A_165 : memref<128xi32, #tpu.memory_space<vmem>>) semaphore(%arg17 : memref<!tpu.dma_semaphore, #tpu.memory_space<semaphore_mem>>)
      %dma_start3A_169 = arith.constant 384 : i32
      %dma_start3A_170 = tpu.memref_slice %arg9[%dma_start3A_169] : memref<1280xi32, #tpu.memory_space<vmem>> -> memref<128xi32, #tpu.memory_space<vmem>>
      %dma_start3A_171 = arith.constant 0 : i32
      %dma_start3A_172 = arith.constant 0 : i32
      %dma_start3A_173 = tpu.memref_slice %arg15[%dma_start3A_171, %dma_start3A_172] : memref<10240x128xf32, #tpu.memory_space<vmem_shared>> -> memref<10240x128xf32, #tpu.memory_space<vmem_shared>>
      tpu.enqueue_indirect_dma source(%arg11 : memref<128x128xf32, #tpu.memory_space<vmem>>) target(%dma_start3A_173 : memref<10240x128xf32, #tpu.memory_space<vmem_shared>>) offsets(%dma_start3A_170 : memref<128xi32, #tpu.memory_space<vmem>>) semaphore(%arg20 : memref<!tpu.dma_semaphore, #tpu.memory_space<semaphore_mem>>) {add = true}
      %dma_start3A_174 = arith.constant 384 : i32
      %dma_start3A_175 = tpu.memref_slice %arg9[%dma_start3A_174] : memref<1280xi32, #tpu.memory_space<vmem>> -> memref<128xi32, #tpu.memory_space<vmem>>
      %dma_start3A_176 = arith.constant 0 : i32
      %dma_start3A_177 = arith.constant 0 : i32
      %dma_start3A_178 = tpu.memref_slice %arg16[%dma_start3A_176, %dma_start3A_177] : memref<10240x16xf32, #tpu.memory_space<vmem_shared>> -> memref<10240x16xf32, #tpu.memory_space<vmem_shared>>
      tpu.enqueue_indirect_dma source(%arg12 : memref<128x16xf32, #tpu.memory_space<vmem>>) target(%dma_start3A_178 : memref<10240x16xf32, #tpu.memory_space<vmem_shared>>) offsets(%dma_start3A_175 : memref<128xi32, #tpu.memory_space<vmem>>) semaphore(%arg22 : memref<!tpu.dma_semaphore, #tpu.memory_space<semaphore_mem>>) {add = true}
      %dma_wait3A_179 = arith.constant 512 : i32
      %dma_wait3A_180 = tpu.memref_slice %arg8[%dma_wait3A_179] : memref<1280xi32, #tpu.memory_space<vmem>> -> memref<128xi32, #tpu.memory_space<vmem>>
      %dma_wait3A_181 = arith.constant 0 : i32
      %dma_wait3A_182 = arith.constant 0 : i32
      %dma_wait3A_183 = tpu.memref_slice %arg2[%dma_wait3A_181, %dma_wait3A_182] : memref<10000x128xf32, #tpu.memory_space<hbm>> -> memref<10000x128xf32, #tpu.memory_space<hbm>>
      tpu.wait_indirect_dma semaphore(%arg17 : memref<!tpu.dma_semaphore, #tpu.memory_space<semaphore_mem>>) src(%dma_wait3A_183 : memref<10000x128xf32, #tpu.memory_space<hbm>>) dst(%arg10 : memref<128x128xf32, #tpu.memory_space<vmem>>)
      %dma_wait3A_184 = arith.constant 384 : i32
      %dma_wait3A_185 = tpu.memref_slice %arg9[%dma_wait3A_184] : memref<1280xi32, #tpu.memory_space<vmem>> -> memref<128xi32, #tpu.memory_space<vmem>>
      %dma_wait3A_186 = arith.constant 0 : i32
      %dma_wait3A_187 = arith.constant 0 : i32
      %dma_wait3A_188 = tpu.memref_slice %arg15[%dma_wait3A_186, %dma_wait3A_187] : memref<10240x128xf32, #tpu.memory_space<vmem_shared>> -> memref<10240x128xf32, #tpu.memory_space<vmem_shared>>
      tpu.wait_indirect_dma semaphore(%arg20 : memref<!tpu.dma_semaphore, #tpu.memory_space<semaphore_mem>>) src(%arg11 : memref<128x128xf32, #tpu.memory_space<vmem>>) dst(%dma_wait3A_188 : memref<10240x128xf32, #tpu.memory_space<vmem_shared>>)
      %dma_wait3A_189 = arith.constant 384 : i32
      %dma_wait3A_190 = tpu.memref_slice %arg9[%dma_wait3A_189] : memref<1280xi32, #tpu.memory_space<vmem>> -> memref<128xi32, #tpu.memory_space<vmem>>
      %dma_wait3A_191 = arith.constant 0 : i32
      %dma_wait3A_192 = arith.constant 0 : i32
      %dma_wait3A_193 = tpu.memref_slice %arg16[%dma_wait3A_191, %dma_wait3A_192] : memref<10240x16xf32, #tpu.memory_space<vmem_shared>> -> memref<10240x16xf32, #tpu.memory_space<vmem_shared>>
      tpu.wait_indirect_dma semaphore(%arg22 : memref<!tpu.dma_semaphore, #tpu.memory_space<semaphore_mem>>) src(%arg12 : memref<128x16xf32, #tpu.memory_space<vmem>>) dst(%dma_wait3A_193 : memref<10240x16xf32, #tpu.memory_space<vmem_shared>>)
      %dma_start3A_194 = arith.constant 640 : i32
      %dma_start3A_195 = tpu.memref_slice %arg8[%dma_start3A_194] : memref<1280xi32, #tpu.memory_space<vmem>> -> memref<128xi32, #tpu.memory_space<vmem>>
      %dma_start3A_196 = arith.constant 0 : i32
      %dma_start3A_197 = arith.constant 0 : i32
      %dma_start3A_198 = tpu.memref_slice %arg2[%dma_start3A_196, %dma_start3A_197] : memref<10000x128xf32, #tpu.memory_space<hbm>> -> memref<10000x128xf32, #tpu.memory_space<hbm>>
      tpu.enqueue_indirect_dma source(%dma_start3A_198 : memref<10000x128xf32, #tpu.memory_space<hbm>>) target(%arg11 : memref<128x128xf32, #tpu.memory_space<vmem>>) offsets(%dma_start3A_195 : memref<128xi32, #tpu.memory_space<vmem>>) semaphore(%arg18 : memref<!tpu.dma_semaphore, #tpu.memory_space<semaphore_mem>>)
      %dma_start3A_199 = arith.constant 512 : i32
      %dma_start3A_200 = tpu.memref_slice %arg9[%dma_start3A_199] : memref<1280xi32, #tpu.memory_space<vmem>> -> memref<128xi32, #tpu.memory_space<vmem>>
      %dma_start3A_201 = arith.constant 0 : i32
      %dma_start3A_202 = arith.constant 0 : i32
      %dma_start3A_203 = tpu.memref_slice %arg15[%dma_start3A_201, %dma_start3A_202] : memref<10240x128xf32, #tpu.memory_space<vmem_shared>> -> memref<10240x128xf32, #tpu.memory_space<vmem_shared>>
      tpu.enqueue_indirect_dma source(%arg10 : memref<128x128xf32, #tpu.memory_space<vmem>>) target(%dma_start3A_203 : memref<10240x128xf32, #tpu.memory_space<vmem_shared>>) offsets(%dma_start3A_200 : memref<128xi32, #tpu.memory_space<vmem>>) semaphore(%arg19 : memref<!tpu.dma_semaphore, #tpu.memory_space<semaphore_mem>>) {add = true}
      %dma_start3A_204 = arith.constant 512 : i32
      %dma_start3A_205 = tpu.memref_slice %arg9[%dma_start3A_204] : memref<1280xi32, #tpu.memory_space<vmem>> -> memref<128xi32, #tpu.memory_space<vmem>>
      %dma_start3A_206 = arith.constant 0 : i32
      %dma_start3A_207 = arith.constant 0 : i32
      %dma_start3A_208 = tpu.memref_slice %arg16[%dma_start3A_206, %dma_start3A_207] : memref<10240x16xf32, #tpu.memory_space<vmem_shared>> -> memref<10240x16xf32, #tpu.memory_space<vmem_shared>>
      tpu.enqueue_indirect_dma source(%arg12 : memref<128x16xf32, #tpu.memory_space<vmem>>) target(%dma_start3A_208 : memref<10240x16xf32, #tpu.memory_space<vmem_shared>>) offsets(%dma_start3A_205 : memref<128xi32, #tpu.memory_space<vmem>>) semaphore(%arg21 : memref<!tpu.dma_semaphore, #tpu.memory_space<semaphore_mem>>) {add = true}
      %dma_wait3A_209 = arith.constant 640 : i32
      %dma_wait3A_210 = tpu.memref_slice %arg8[%dma_wait3A_209] : memref<1280xi32, #tpu.memory_space<vmem>> -> memref<128xi32, #tpu.memory_space<vmem>>
      %dma_wait3A_211 = arith.constant 0 : i32
      %dma_wait3A_212 = arith.constant 0 : i32
      %dma_wait3A_213 = tpu.memref_slice %arg2[%dma_wait3A_211, %dma_wait3A_212] : memref<10000x128xf32, #tpu.memory_space<hbm>> -> memref<10000x128xf32, #tpu.memory_space<hbm>>
      tpu.wait_indirect_dma semaphore(%arg18 : memref<!tpu.dma_semaphore, #tpu.memory_space<semaphore_mem>>) src(%dma_wait3A_213 : memref<10000x128xf32, #tpu.memory_space<hbm>>) dst(%arg11 : memref<128x128xf32, #tpu.memory_space<vmem>>)
      %dma_wait3A_214 = arith.constant 512 : i32
      %dma_wait3A_215 = tpu.memref_slice %arg9[%dma_wait3A_214] : memref<1280xi32, #tpu.memory_space<vmem>> -> memref<128xi32, #tpu.memory_space<vmem>>
      %dma_wait3A_216 = arith.constant 0 : i32
      %dma_wait3A_217 = arith.constant 0 : i32
      %dma_wait3A_218 = tpu.memref_slice %arg15[%dma_wait3A_216, %dma_wait3A_217] : memref<10240x128xf32, #tpu.memory_space<vmem_shared>> -> memref<10240x128xf32, #tpu.memory_space<vmem_shared>>
      tpu.wait_indirect_dma semaphore(%arg19 : memref<!tpu.dma_semaphore, #tpu.memory_space<semaphore_mem>>) src(%arg10 : memref<128x128xf32, #tpu.memory_space<vmem>>) dst(%dma_wait3A_218 : memref<10240x128xf32, #tpu.memory_space<vmem_shared>>)
      %dma_wait3A_219 = arith.constant 512 : i32
      %dma_wait3A_220 = tpu.memref_slice %arg9[%dma_wait3A_219] : memref<1280xi32, #tpu.memory_space<vmem>> -> memref<128xi32, #tpu.memory_space<vmem>>
      %dma_wait3A_221 = arith.constant 0 : i32
      %dma_wait3A_222 = arith.constant 0 : i32
      %dma_wait3A_223 = tpu.memref_slice %arg16[%dma_wait3A_221, %dma_wait3A_222] : memref<10240x16xf32, #tpu.memory_space<vmem_shared>> -> memref<10240x16xf32, #tpu.memory_space<vmem_shared>>
      tpu.wait_indirect_dma semaphore(%arg21 : memref<!tpu.dma_semaphore, #tpu.memory_space<semaphore_mem>>) src(%arg12 : memref<128x16xf32, #tpu.memory_space<vmem>>) dst(%dma_wait3A_223 : memref<10240x16xf32, #tpu.memory_space<vmem_shared>>)
      %dma_start3A_224 = arith.constant 768 : i32
      %dma_start3A_225 = tpu.memref_slice %arg8[%dma_start3A_224] : memref<1280xi32, #tpu.memory_space<vmem>> -> memref<128xi32, #tpu.memory_space<vmem>>
      %dma_start3A_226 = arith.constant 0 : i32
      %dma_start3A_227 = arith.constant 0 : i32
      %dma_start3A_228 = tpu.memref_slice %arg2[%dma_start3A_226, %dma_start3A_227] : memref<10000x128xf32, #tpu.memory_space<hbm>> -> memref<10000x128xf32, #tpu.memory_space<hbm>>
      tpu.enqueue_indirect_dma source(%dma_start3A_228 : memref<10000x128xf32, #tpu.memory_space<hbm>>) target(%arg10 : memref<128x128xf32, #tpu.memory_space<vmem>>) offsets(%dma_start3A_225 : memref<128xi32, #tpu.memory_space<vmem>>) semaphore(%arg17 : memref<!tpu.dma_semaphore, #tpu.memory_space<semaphore_mem>>)
      %dma_start3A_229 = arith.constant 640 : i32
      %dma_start3A_230 = tpu.memref_slice %arg9[%dma_start3A_229] : memref<1280xi32, #tpu.memory_space<vmem>> -> memref<128xi32, #tpu.memory_space<vmem>>
      %dma_start3A_231 = arith.constant 0 : i32
      %dma_start3A_232 = arith.constant 0 : i32
      %dma_start3A_233 = tpu.memref_slice %arg15[%dma_start3A_231, %dma_start3A_232] : memref<10240x128xf32, #tpu.memory_space<vmem_shared>> -> memref<10240x128xf32, #tpu.memory_space<vmem_shared>>
      tpu.enqueue_indirect_dma source(%arg11 : memref<128x128xf32, #tpu.memory_space<vmem>>) target(%dma_start3A_233 : memref<10240x128xf32, #tpu.memory_space<vmem_shared>>) offsets(%dma_start3A_230 : memref<128xi32, #tpu.memory_space<vmem>>) semaphore(%arg20 : memref<!tpu.dma_semaphore, #tpu.memory_space<semaphore_mem>>) {add = true}
      %dma_start3A_234 = arith.constant 640 : i32
      %dma_start3A_235 = tpu.memref_slice %arg9[%dma_start3A_234] : memref<1280xi32, #tpu.memory_space<vmem>> -> memref<128xi32, #tpu.memory_space<vmem>>
      %dma_start3A_236 = arith.constant 0 : i32
      %dma_start3A_237 = arith.constant 0 : i32
      %dma_start3A_238 = tpu.memref_slice %arg16[%dma_start3A_236, %dma_start3A_237] : memref<10240x16xf32, #tpu.memory_space<vmem_shared>> -> memref<10240x16xf32, #tpu.memory_space<vmem_shared>>
      tpu.enqueue_indirect_dma source(%arg12 : memref<128x16xf32, #tpu.memory_space<vmem>>) target(%dma_start3A_238 : memref<10240x16xf32, #tpu.memory_space<vmem_shared>>) offsets(%dma_start3A_235 : memref<128xi32, #tpu.memory_space<vmem>>) semaphore(%arg22 : memref<!tpu.dma_semaphore, #tpu.memory_space<semaphore_mem>>) {add = true}
      %dma_wait3A_239 = arith.constant 768 : i32
      %dma_wait3A_240 = tpu.memref_slice %arg8[%dma_wait3A_239] : memref<1280xi32, #tpu.memory_space<vmem>> -> memref<128xi32, #tpu.memory_space<vmem>>
      %dma_wait3A_241 = arith.constant 0 : i32
      %dma_wait3A_242 = arith.constant 0 : i32
      %dma_wait3A_243 = tpu.memref_slice %arg2[%dma_wait3A_241, %dma_wait3A_242] : memref<10000x128xf32, #tpu.memory_space<hbm>> -> memref<10000x128xf32, #tpu.memory_space<hbm>>
      tpu.wait_indirect_dma semaphore(%arg17 : memref<!tpu.dma_semaphore, #tpu.memory_space<semaphore_mem>>) src(%dma_wait3A_243 : memref<10000x128xf32, #tpu.memory_space<hbm>>) dst(%arg10 : memref<128x128xf32, #tpu.memory_space<vmem>>)
      %dma_wait3A_244 = arith.constant 640 : i32
      %dma_wait3A_245 = tpu.memref_slice %arg9[%dma_wait3A_244] : memref<1280xi32, #tpu.memory_space<vmem>> -> memref<128xi32, #tpu.memory_space<vmem>>
      %dma_wait3A_246 = arith.constant 0 : i32
      %dma_wait3A_247 = arith.constant 0 : i32
      %dma_wait3A_248 = tpu.memref_slice %arg15[%dma_wait3A_246, %dma_wait3A_247] : memref<10240x128xf32, #tpu.memory_space<vmem_shared>> -> memref<10240x128xf32, #tpu.memory_space<vmem_shared>>
      tpu.wait_indirect_dma semaphore(%arg20 : memref<!tpu.dma_semaphore, #tpu.memory_space<semaphore_mem>>) src(%arg11 : memref<128x128xf32, #tpu.memory_space<vmem>>) dst(%dma_wait3A_248 : memref<10240x128xf32, #tpu.memory_space<vmem_shared>>)
      %dma_wait3A_249 = arith.constant 640 : i32
      %dma_wait3A_250 = tpu.memref_slice %arg9[%dma_wait3A_249] : memref<1280xi32, #tpu.memory_space<vmem>> -> memref<128xi32, #tpu.memory_space<vmem>>
      %dma_wait3A_251 = arith.constant 0 : i32
      %dma_wait3A_252 = arith.constant 0 : i32
      %dma_wait3A_253 = tpu.memref_slice %arg16[%dma_wait3A_251, %dma_wait3A_252] : memref<10240x16xf32, #tpu.memory_space<vmem_shared>> -> memref<10240x16xf32, #tpu.memory_space<vmem_shared>>
      tpu.wait_indirect_dma semaphore(%arg22 : memref<!tpu.dma_semaphore, #tpu.memory_space<semaphore_mem>>) src(%arg12 : memref<128x16xf32, #tpu.memory_space<vmem>>) dst(%dma_wait3A_253 : memref<10240x16xf32, #tpu.memory_space<vmem_shared>>)
      %dma_start3A_254 = arith.constant 896 : i32
      %dma_start3A_255 = tpu.memref_slice %arg8[%dma_start3A_254] : memref<1280xi32, #tpu.memory_space<vmem>> -> memref<128xi32, #tpu.memory_space<vmem>>
      %dma_start3A_256 = arith.constant 0 : i32
      %dma_start3A_257 = arith.constant 0 : i32
      %dma_start3A_258 = tpu.memref_slice %arg2[%dma_start3A_256, %dma_start3A_257] : memref<10000x128xf32, #tpu.memory_space<hbm>> -> memref<10000x128xf32, #tpu.memory_space<hbm>>
      tpu.enqueue_indirect_dma source(%dma_start3A_258 : memref<10000x128xf32, #tpu.memory_space<hbm>>) target(%arg11 : memref<128x128xf32, #tpu.memory_space<vmem>>) offsets(%dma_start3A_255 : memref<128xi32, #tpu.memory_space<vmem>>) semaphore(%arg18 : memref<!tpu.dma_semaphore, #tpu.memory_space<semaphore_mem>>)
      %dma_start3A_259 = arith.constant 768 : i32
      %dma_start3A_260 = tpu.memref_slice %arg9[%dma_start3A_259] : memref<1280xi32, #tpu.memory_space<vmem>> -> memref<128xi32, #tpu.memory_space<vmem>>
      %dma_start3A_261 = arith.constant 0 : i32
      %dma_start3A_262 = arith.constant 0 : i32
      %dma_start3A_263 = tpu.memref_slice %arg15[%dma_start3A_261, %dma_start3A_262] : memref<10240x128xf32, #tpu.memory_space<vmem_shared>> -> memref<10240x128xf32, #tpu.memory_space<vmem_shared>>
      tpu.enqueue_indirect_dma source(%arg10 : memref<128x128xf32, #tpu.memory_space<vmem>>) target(%dma_start3A_263 : memref<10240x128xf32, #tpu.memory_space<vmem_shared>>) offsets(%dma_start3A_260 : memref<128xi32, #tpu.memory_space<vmem>>) semaphore(%arg19 : memref<!tpu.dma_semaphore, #tpu.memory_space<semaphore_mem>>) {add = true}
      %dma_start3A_264 = arith.constant 768 : i32
      %dma_start3A_265 = tpu.memref_slice %arg9[%dma_start3A_264] : memref<1280xi32, #tpu.memory_space<vmem>> -> memref<128xi32, #tpu.memory_space<vmem>>
      %dma_start3A_266 = arith.constant 0 : i32
      %dma_start3A_267 = arith.constant 0 : i32
      %dma_start3A_268 = tpu.memref_slice %arg16[%dma_start3A_266, %dma_start3A_267] : memref<10240x16xf32, #tpu.memory_space<vmem_shared>> -> memref<10240x16xf32, #tpu.memory_space<vmem_shared>>
      tpu.enqueue_indirect_dma source(%arg12 : memref<128x16xf32, #tpu.memory_space<vmem>>) target(%dma_start3A_268 : memref<10240x16xf32, #tpu.memory_space<vmem_shared>>) offsets(%dma_start3A_265 : memref<128xi32, #tpu.memory_space<vmem>>) semaphore(%arg21 : memref<!tpu.dma_semaphore, #tpu.memory_space<semaphore_mem>>) {add = true}
      %dma_wait3A_269 = arith.constant 896 : i32
      %dma_wait3A_270 = tpu.memref_slice %arg8[%dma_wait3A_269] : memref<1280xi32, #tpu.memory_space<vmem>> -> memref<128xi32, #tpu.memory_space<vmem>>
      %dma_wait3A_271 = arith.constant 0 : i32
      %dma_wait3A_272 = arith.constant 0 : i32
      %dma_wait3A_273 = tpu.memref_slice %arg2[%dma_wait3A_271, %dma_wait3A_272] : memref<10000x128xf32, #tpu.memory_space<hbm>> -> memref<10000x128xf32, #tpu.memory_space<hbm>>
      tpu.wait_indirect_dma semaphore(%arg18 : memref<!tpu.dma_semaphore, #tpu.memory_space<semaphore_mem>>) src(%dma_wait3A_273 : memref<10000x128xf32, #tpu.memory_space<hbm>>) dst(%arg11 : memref<128x128xf32, #tpu.memory_space<vmem>>)
      %dma_wait3A_274 = arith.constant 768 : i32
      %dma_wait3A_275 = tpu.memref_slice %arg9[%dma_wait3A_274] : memref<1280xi32, #tpu.memory_space<vmem>> -> memref<128xi32, #tpu.memory_space<vmem>>
      %dma_wait3A_276 = arith.constant 0 : i32
      %dma_wait3A_277 = arith.constant 0 : i32
      %dma_wait3A_278 = tpu.memref_slice %arg15[%dma_wait3A_276, %dma_wait3A_277] : memref<10240x128xf32, #tpu.memory_space<vmem_shared>> -> memref<10240x128xf32, #tpu.memory_space<vmem_shared>>
      tpu.wait_indirect_dma semaphore(%arg19 : memref<!tpu.dma_semaphore, #tpu.memory_space<semaphore_mem>>) src(%arg10 : memref<128x128xf32, #tpu.memory_space<vmem>>) dst(%dma_wait3A_278 : memref<10240x128xf32, #tpu.memory_space<vmem_shared>>)
      %dma_wait3A_279 = arith.constant 768 : i32
      %dma_wait3A_280 = tpu.memref_slice %arg9[%dma_wait3A_279] : memref<1280xi32, #tpu.memory_space<vmem>> -> memref<128xi32, #tpu.memory_space<vmem>>
      %dma_wait3A_281 = arith.constant 0 : i32
      %dma_wait3A_282 = arith.constant 0 : i32
      %dma_wait3A_283 = tpu.memref_slice %arg16[%dma_wait3A_281, %dma_wait3A_282] : memref<10240x16xf32, #tpu.memory_space<vmem_shared>> -> memref<10240x16xf32, #tpu.memory_space<vmem_shared>>
      tpu.wait_indirect_dma semaphore(%arg21 : memref<!tpu.dma_semaphore, #tpu.memory_space<semaphore_mem>>) src(%arg12 : memref<128x16xf32, #tpu.memory_space<vmem>>) dst(%dma_wait3A_283 : memref<10240x16xf32, #tpu.memory_space<vmem_shared>>)
      %dma_start3A_284 = arith.constant 1024 : i32
      %dma_start3A_285 = tpu.memref_slice %arg8[%dma_start3A_284] : memref<1280xi32, #tpu.memory_space<vmem>> -> memref<128xi32, #tpu.memory_space<vmem>>
      %dma_start3A_286 = arith.constant 0 : i32
      %dma_start3A_287 = arith.constant 0 : i32
      %dma_start3A_288 = tpu.memref_slice %arg2[%dma_start3A_286, %dma_start3A_287] : memref<10000x128xf32, #tpu.memory_space<hbm>> -> memref<10000x128xf32, #tpu.memory_space<hbm>>
      tpu.enqueue_indirect_dma source(%dma_start3A_288 : memref<10000x128xf32, #tpu.memory_space<hbm>>) target(%arg10 : memref<128x128xf32, #tpu.memory_space<vmem>>) offsets(%dma_start3A_285 : memref<128xi32, #tpu.memory_space<vmem>>) semaphore(%arg17 : memref<!tpu.dma_semaphore, #tpu.memory_space<semaphore_mem>>)
      %dma_start3A_289 = arith.constant 896 : i32
      %dma_start3A_290 = tpu.memref_slice %arg9[%dma_start3A_289] : memref<1280xi32, #tpu.memory_space<vmem>> -> memref<128xi32, #tpu.memory_space<vmem>>
      %dma_start3A_291 = arith.constant 0 : i32
      %dma_start3A_292 = arith.constant 0 : i32
      %dma_start3A_293 = tpu.memref_slice %arg15[%dma_start3A_291, %dma_start3A_292] : memref<10240x128xf32, #tpu.memory_space<vmem_shared>> -> memref<10240x128xf32, #tpu.memory_space<vmem_shared>>
      tpu.enqueue_indirect_dma source(%arg11 : memref<128x128xf32, #tpu.memory_space<vmem>>) target(%dma_start3A_293 : memref<10240x128xf32, #tpu.memory_space<vmem_shared>>) offsets(%dma_start3A_290 : memref<128xi32, #tpu.memory_space<vmem>>) semaphore(%arg20 : memref<!tpu.dma_semaphore, #tpu.memory_space<semaphore_mem>>) {add = true}
      %dma_start3A_294 = arith.constant 896 : i32
      %dma_start3A_295 = tpu.memref_slice %arg9[%dma_start3A_294] : memref<1280xi32, #tpu.memory_space<vmem>> -> memref<128xi32, #tpu.memory_space<vmem>>
      %dma_start3A_296 = arith.constant 0 : i32
      %dma_start3A_297 = arith.constant 0 : i32
      %dma_start3A_298 = tpu.memref_slice %arg16[%dma_start3A_296, %dma_start3A_297] : memref<10240x16xf32, #tpu.memory_space<vmem_shared>> -> memref<10240x16xf32, #tpu.memory_space<vmem_shared>>
      tpu.enqueue_indirect_dma source(%arg12 : memref<128x16xf32, #tpu.memory_space<vmem>>) target(%dma_start3A_298 : memref<10240x16xf32, #tpu.memory_space<vmem_shared>>) offsets(%dma_start3A_295 : memref<128xi32, #tpu.memory_space<vmem>>) semaphore(%arg22 : memref<!tpu.dma_semaphore, #tpu.memory_space<semaphore_mem>>) {add = true}
      %dma_wait3A_299 = arith.constant 1024 : i32
      %dma_wait3A_300 = tpu.memref_slice %arg8[%dma_wait3A_299] : memref<1280xi32, #tpu.memory_space<vmem>> -> memref<128xi32, #tpu.memory_space<vmem>>
      %dma_wait3A_301 = arith.constant 0 : i32
      %dma_wait3A_302 = arith.constant 0 : i32
      %dma_wait3A_303 = tpu.memref_slice %arg2[%dma_wait3A_301, %dma_wait3A_302] : memref<10000x128xf32, #tpu.memory_space<hbm>> -> memref<10000x128xf32, #tpu.memory_space<hbm>>
      tpu.wait_indirect_dma semaphore(%arg17 : memref<!tpu.dma_semaphore, #tpu.memory_space<semaphore_mem>>) src(%dma_wait3A_303 : memref<10000x128xf32, #tpu.memory_space<hbm>>) dst(%arg10 : memref<128x128xf32, #tpu.memory_space<vmem>>)
      %dma_wait3A_304 = arith.constant 896 : i32
      %dma_wait3A_305 = tpu.memref_slice %arg9[%dma_wait3A_304] : memref<1280xi32, #tpu.memory_space<vmem>> -> memref<128xi32, #tpu.memory_space<vmem>>
      %dma_wait3A_306 = arith.constant 0 : i32
      %dma_wait3A_307 = arith.constant 0 : i32
      %dma_wait3A_308 = tpu.memref_slice %arg15[%dma_wait3A_306, %dma_wait3A_307] : memref<10240x128xf32, #tpu.memory_space<vmem_shared>> -> memref<10240x128xf32, #tpu.memory_space<vmem_shared>>
      tpu.wait_indirect_dma semaphore(%arg20 : memref<!tpu.dma_semaphore, #tpu.memory_space<semaphore_mem>>) src(%arg11 : memref<128x128xf32, #tpu.memory_space<vmem>>) dst(%dma_wait3A_308 : memref<10240x128xf32, #tpu.memory_space<vmem_shared>>)
      %dma_wait3A_309 = arith.constant 896 : i32
      %dma_wait3A_310 = tpu.memref_slice %arg9[%dma_wait3A_309] : memref<1280xi32, #tpu.memory_space<vmem>> -> memref<128xi32, #tpu.memory_space<vmem>>
      %dma_wait3A_311 = arith.constant 0 : i32
      %dma_wait3A_312 = arith.constant 0 : i32
      %dma_wait3A_313 = tpu.memref_slice %arg16[%dma_wait3A_311, %dma_wait3A_312] : memref<10240x16xf32, #tpu.memory_space<vmem_shared>> -> memref<10240x16xf32, #tpu.memory_space<vmem_shared>>
      tpu.wait_indirect_dma semaphore(%arg22 : memref<!tpu.dma_semaphore, #tpu.memory_space<semaphore_mem>>) src(%arg12 : memref<128x16xf32, #tpu.memory_space<vmem>>) dst(%dma_wait3A_313 : memref<10240x16xf32, #tpu.memory_space<vmem_shared>>)
      %dma_start3A_314 = arith.constant 1152 : i32
      %dma_start3A_315 = tpu.memref_slice %arg8[%dma_start3A_314] : memref<1280xi32, #tpu.memory_space<vmem>> -> memref<128xi32, #tpu.memory_space<vmem>>
      %dma_start3A_316 = arith.constant 0 : i32
      %dma_start3A_317 = arith.constant 0 : i32
      %dma_start3A_318 = tpu.memref_slice %arg2[%dma_start3A_316, %dma_start3A_317] : memref<10000x128xf32, #tpu.memory_space<hbm>> -> memref<10000x128xf32, #tpu.memory_space<hbm>>
      tpu.enqueue_indirect_dma source(%dma_start3A_318 : memref<10000x128xf32, #tpu.memory_space<hbm>>) target(%arg11 : memref<128x128xf32, #tpu.memory_space<vmem>>) offsets(%dma_start3A_315 : memref<128xi32, #tpu.memory_space<vmem>>) semaphore(%arg18 : memref<!tpu.dma_semaphore, #tpu.memory_space<semaphore_mem>>)
      %dma_start3A_319 = arith.constant 1024 : i32
      %dma_start3A_320 = tpu.memref_slice %arg9[%dma_start3A_319] : memref<1280xi32, #tpu.memory_space<vmem>> -> memref<128xi32, #tpu.memory_space<vmem>>
      %dma_start3A_321 = arith.constant 0 : i32
      %dma_start3A_322 = arith.constant 0 : i32
      %dma_start3A_323 = tpu.memref_slice %arg15[%dma_start3A_321, %dma_start3A_322] : memref<10240x128xf32, #tpu.memory_space<vmem_shared>> -> memref<10240x128xf32, #tpu.memory_space<vmem_shared>>
      tpu.enqueue_indirect_dma source(%arg10 : memref<128x128xf32, #tpu.memory_space<vmem>>) target(%dma_start3A_323 : memref<10240x128xf32, #tpu.memory_space<vmem_shared>>) offsets(%dma_start3A_320 : memref<128xi32, #tpu.memory_space<vmem>>) semaphore(%arg19 : memref<!tpu.dma_semaphore, #tpu.memory_space<semaphore_mem>>) {add = true}
      %dma_start3A_324 = arith.constant 1024 : i32
      %dma_start3A_325 = tpu.memref_slice %arg9[%dma_start3A_324] : memref<1280xi32, #tpu.memory_space<vmem>> -> memref<128xi32, #tpu.memory_space<vmem>>
      %dma_start3A_326 = arith.constant 0 : i32
      %dma_start3A_327 = arith.constant 0 : i32
      %dma_start3A_328 = tpu.memref_slice %arg16[%dma_start3A_326, %dma_start3A_327] : memref<10240x16xf32, #tpu.memory_space<vmem_shared>> -> memref<10240x16xf32, #tpu.memory_space<vmem_shared>>
      tpu.enqueue_indirect_dma source(%arg12 : memref<128x16xf32, #tpu.memory_space<vmem>>) target(%dma_start3A_328 : memref<10240x16xf32, #tpu.memory_space<vmem_shared>>) offsets(%dma_start3A_325 : memref<128xi32, #tpu.memory_space<vmem>>) semaphore(%arg21 : memref<!tpu.dma_semaphore, #tpu.memory_space<semaphore_mem>>) {add = true}
      %dma_wait3A_329 = arith.constant 1152 : i32
      %dma_wait3A_330 = tpu.memref_slice %arg8[%dma_wait3A_329] : memref<1280xi32, #tpu.memory_space<vmem>> -> memref<128xi32, #tpu.memory_space<vmem>>
      %dma_wait3A_331 = arith.constant 0 : i32
      %dma_wait3A_332 = arith.constant 0 : i32
      %dma_wait3A_333 = tpu.memref_slice %arg2[%dma_wait3A_331, %dma_wait3A_332] : memref<10000x128xf32, #tpu.memory_space<hbm>> -> memref<10000x128xf32, #tpu.memory_space<hbm>>
      tpu.wait_indirect_dma semaphore(%arg18 : memref<!tpu.dma_semaphore, #tpu.memory_space<semaphore_mem>>) src(%dma_wait3A_333 : memref<10000x128xf32, #tpu.memory_space<hbm>>) dst(%arg11 : memref<128x128xf32, #tpu.memory_space<vmem>>)
      %dma_wait3A_334 = arith.constant 1024 : i32
      %dma_wait3A_335 = tpu.memref_slice %arg9[%dma_wait3A_334] : memref<1280xi32, #tpu.memory_space<vmem>> -> memref<128xi32, #tpu.memory_space<vmem>>
      %dma_wait3A_336 = arith.constant 0 : i32
      %dma_wait3A_337 = arith.constant 0 : i32
      %dma_wait3A_338 = tpu.memref_slice %arg15[%dma_wait3A_336, %dma_wait3A_337] : memref<10240x128xf32, #tpu.memory_space<vmem_shared>> -> memref<10240x128xf32, #tpu.memory_space<vmem_shared>>
      tpu.wait_indirect_dma semaphore(%arg19 : memref<!tpu.dma_semaphore, #tpu.memory_space<semaphore_mem>>) src(%arg10 : memref<128x128xf32, #tpu.memory_space<vmem>>) dst(%dma_wait3A_338 : memref<10240x128xf32, #tpu.memory_space<vmem_shared>>)
      %dma_wait3A_339 = arith.constant 1024 : i32
      %dma_wait3A_340 = tpu.memref_slice %arg9[%dma_wait3A_339] : memref<1280xi32, #tpu.memory_space<vmem>> -> memref<128xi32, #tpu.memory_space<vmem>>
      %dma_wait3A_341 = arith.constant 0 : i32
      %dma_wait3A_342 = arith.constant 0 : i32
      %dma_wait3A_343 = tpu.memref_slice %arg16[%dma_wait3A_341, %dma_wait3A_342] : memref<10240x16xf32, #tpu.memory_space<vmem_shared>> -> memref<10240x16xf32, #tpu.memory_space<vmem_shared>>
      tpu.wait_indirect_dma semaphore(%arg21 : memref<!tpu.dma_semaphore, #tpu.memory_space<semaphore_mem>>) src(%arg12 : memref<128x16xf32, #tpu.memory_space<vmem>>) dst(%dma_wait3A_343 : memref<10240x16xf32, #tpu.memory_space<vmem_shared>>)
      %dma_start3A_344 = arith.constant 1152 : i32
      %dma_start3A_345 = tpu.memref_slice %arg9[%dma_start3A_344] : memref<1280xi32, #tpu.memory_space<vmem>> -> memref<128xi32, #tpu.memory_space<vmem>>
      %dma_start3A_346 = arith.constant 0 : i32
      %dma_start3A_347 = arith.constant 0 : i32
      %dma_start3A_348 = tpu.memref_slice %arg15[%dma_start3A_346, %dma_start3A_347] : memref<10240x128xf32, #tpu.memory_space<vmem_shared>> -> memref<10240x128xf32, #tpu.memory_space<vmem_shared>>
      tpu.enqueue_indirect_dma source(%arg11 : memref<128x128xf32, #tpu.memory_space<vmem>>) target(%dma_start3A_348 : memref<10240x128xf32, #tpu.memory_space<vmem_shared>>) offsets(%dma_start3A_345 : memref<128xi32, #tpu.memory_space<vmem>>) semaphore(%arg20 : memref<!tpu.dma_semaphore, #tpu.memory_space<semaphore_mem>>) {add = true}
      %dma_start3A_349 = arith.constant 1152 : i32
      %dma_start3A_350 = tpu.memref_slice %arg9[%dma_start3A_349] : memref<1280xi32, #tpu.memory_space<vmem>> -> memref<128xi32, #tpu.memory_space<vmem>>
      %dma_start3A_351 = arith.constant 0 : i32
      %dma_start3A_352 = arith.constant 0 : i32
      %dma_start3A_353 = tpu.memref_slice %arg16[%dma_start3A_351, %dma_start3A_352] : memref<10240x16xf32, #tpu.memory_space<vmem_shared>> -> memref<10240x16xf32, #tpu.memory_space<vmem_shared>>
      tpu.enqueue_indirect_dma source(%arg12 : memref<128x16xf32, #tpu.memory_space<vmem>>) target(%dma_start3A_353 : memref<10240x16xf32, #tpu.memory_space<vmem_shared>>) offsets(%dma_start3A_350 : memref<128xi32, #tpu.memory_space<vmem>>) semaphore(%arg22 : memref<!tpu.dma_semaphore, #tpu.memory_space<semaphore_mem>>) {add = true}
      %dma_wait3A_354 = arith.constant 1152 : i32
      %dma_wait3A_355 = tpu.memref_slice %arg9[%dma_wait3A_354] : memref<1280xi32, #tpu.memory_space<vmem>> -> memref<128xi32, #tpu.memory_space<vmem>>
      %dma_wait3A_356 = arith.constant 0 : i32
      %dma_wait3A_357 = arith.constant 0 : i32
      %dma_wait3A_358 = tpu.memref_slice %arg15[%dma_wait3A_356, %dma_wait3A_357] : memref<10240x128xf32, #tpu.memory_space<vmem_shared>> -> memref<10240x128xf32, #tpu.memory_space<vmem_shared>>
      tpu.wait_indirect_dma semaphore(%arg20 : memref<!tpu.dma_semaphore, #tpu.memory_space<semaphore_mem>>) src(%arg11 : memref<128x128xf32, #tpu.memory_space<vmem>>) dst(%dma_wait3A_358 : memref<10240x128xf32, #tpu.memory_space<vmem_shared>>)
      %dma_wait3A_359 = arith.constant 1152 : i32
      %dma_wait3A_360 = tpu.memref_slice %arg9[%dma_wait3A_359] : memref<1280xi32, #tpu.memory_space<vmem>> -> memref<128xi32, #tpu.memory_space<vmem>>
      %dma_wait3A_361 = arith.constant 0 : i32
      %dma_wait3A_362 = arith.constant 0 : i32
      %dma_wait3A_363 = tpu.memref_slice %arg16[%dma_wait3A_361, %dma_wait3A_362] : memref<10240x16xf32, #tpu.memory_space<vmem_shared>> -> memref<10240x16xf32, #tpu.memory_space<vmem_shared>>
      tpu.wait_indirect_dma semaphore(%arg22 : memref<!tpu.dma_semaphore, #tpu.memory_space<semaphore_mem>>) src(%arg12 : memref<128x16xf32, #tpu.memory_space<vmem>>) dst(%dma_wait3A_363 : memref<10240x16xf32, #tpu.memory_space<vmem_shared>>)
      %while3A_364 = arith.constant 0 : i32
      scf.yield %while3A_364 : i32
    }
    %while3A_46 = arith.constant 1 : i32
    %while3A_47 = scf.for %while3A_56 = %while3A_43 to %while3A_39 step %while3A_46 iter_args(%while3A_57 = %while3A_45) -> (i32)  : i32 {
      %mul3A_58 = arith.constant 32 : i32
      %mul3A_59 = arith.muli %while3A_56, %mul3A_58 : i32
      %add3A_60 = arith.addi %add3A, %mul3A_59 : i32
      %mul3A_61 = arith.constant 10 : i32
      %mul3A_62 = arith.muli %add3A_60, %mul3A_61 : i32
      %mul3A_63 = arith.constant 128 : i32
      %mul3A_64 = arith.muli %mul3A_62, %mul3A_63 : i32
      %run_scoped3A = arith.constant 0 : i32
      "tpu.region"() ({
        %run_scoped3A_365 = tpu.sem_alloc : memref<!tpu.dma_semaphore, #tpu.memory_space<semaphore_mem>>
        %dma_start3A_366 = tpu.memref_slice %arg3[%run_scoped3A, %mul3A_64] : memref<2x320000xi32, #tpu.memory_space<hbm>> -> memref<1x1280xi32, #tpu.memory_space<hbm>>
        %dma_start3A_367 = tpu.memref_squeeze %dma_start3A_366 : memref<1x1280xi32, #tpu.memory_space<hbm>> -> memref<1280xi32, #tpu.memory_space<hbm>>
        %dma_start3A_368 = tpu.memref_slice %arg3[%run_scoped3A, %mul3A_64] : memref<2x320000xi32, #tpu.memory_space<hbm>> -> memref<1x1280xi32, #tpu.memory_space<hbm>>
        %dma_start3A_369 = tpu.memref_squeeze %dma_start3A_368 : memref<1x1280xi32, #tpu.memory_space<hbm>> -> memref<1280xi32, #tpu.memory_space<hbm>>
        tpu.enqueue_dma source(%dma_start3A_369 : memref<1280xi32, #tpu.memory_space<hbm>>) target(%arg8 : memref<1280xi32, #tpu.memory_space<vmem>>) target_semaphore(%run_scoped3A_365 : memref<!tpu.dma_semaphore, #tpu.memory_space<semaphore_mem>>)
        %dma_wait3A_370 = tpu.memref_slice %arg3[%run_scoped3A, %mul3A_64] : memref<2x320000xi32, #tpu.memory_space<hbm>> -> memref<1x1280xi32, #tpu.memory_space<hbm>>
        %dma_wait3A_371 = tpu.memref_squeeze %dma_wait3A_370 : memref<1x1280xi32, #tpu.memory_space<hbm>> -> memref<1280xi32, #tpu.memory_space<hbm>>
        %dma_wait3A_372 = tpu.memref_slice %arg3[%run_scoped3A, %mul3A_64] : memref<2x320000xi32, #tpu.memory_space<hbm>> -> memref<1x1280xi32, #tpu.memory_space<hbm>>
        %dma_wait3A_373 = tpu.memref_squeeze %dma_wait3A_372 : memref<1x1280xi32, #tpu.memory_space<hbm>> -> memref<1280xi32, #tpu.memory_space<hbm>>
        tpu.wait_dma2 semaphore(%run_scoped3A_365 : memref<!tpu.dma_semaphore, #tpu.memory_space<semaphore_mem>>) src(%dma_wait3A_373 : memref<1280xi32, #tpu.memory_space<hbm>>) dst(%arg8 : memref<1280xi32, #tpu.memory_space<vmem>>)
        tpu.yield
      }) : () -> ()
      %run_scoped3A_65 = arith.constant 1 : i32
      "tpu.region"() ({
        %run_scoped3A_365 = tpu.sem_alloc : memref<!tpu.dma_semaphore, #tpu.memory_space<semaphore_mem>>
        %dma_start3A_366 = tpu.memref_slice %arg3[%run_scoped3A_65, %mul3A_64] : memref<2x320000xi32, #tpu.memory_space<hbm>> -> memref<1x1280xi32, #tpu.memory_space<hbm>>
        %dma_start3A_367 = tpu.memref_squeeze %dma_start3A_366 : memref<1x1280xi32, #tpu.memory_space<hbm>> -> memref<1280xi32, #tpu.memory_space<hbm>>
        %dma_start3A_368 = tpu.memref_slice %arg3[%run_scoped3A_65, %mul3A_64] : memref<2x320000xi32, #tpu.memory_space<hbm>> -> memref<1x1280xi32, #tpu.memory_space<hbm>>
        %dma_start3A_369 = tpu.memref_squeeze %dma_start3A_368 : memref<1x1280xi32, #tpu.memory_space<hbm>> -> memref<1280xi32, #tpu.memory_space<hbm>>
        tpu.enqueue_dma source(%dma_start3A_369 : memref<1280xi32, #tpu.memory_space<hbm>>) target(%arg9 : memref<1280xi32, #tpu.memory_space<vmem>>) target_semaphore(%run_scoped3A_365 : memref<!tpu.dma_semaphore, #tpu.memory_space<semaphore_mem>>)
        %dma_wait3A_370 = tpu.memref_slice %arg3[%run_scoped3A_65, %mul3A_64] : memref<2x320000xi32, #tpu.memory_space<hbm>> -> memref<1x1280xi32, #tpu.memory_space<hbm>>
        %dma_wait3A_371 = tpu.memref_squeeze %dma_wait3A_370 : memref<1x1280xi32, #tpu.memory_space<hbm>> -> memref<1280xi32, #tpu.memory_space<hbm>>
        %dma_wait3A_372 = tpu.memref_slice %arg3[%run_scoped3A_65, %mul3A_64] : memref<2x320000xi32, #tpu.memory_space<hbm>> -> memref<1x1280xi32, #tpu.memory_space<hbm>>
        %dma_wait3A_373 = tpu.memref_squeeze %dma_wait3A_372 : memref<1x1280xi32, #tpu.memory_space<hbm>> -> memref<1280xi32, #tpu.memory_space<hbm>>
        tpu.wait_dma2 semaphore(%run_scoped3A_365 : memref<!tpu.dma_semaphore, #tpu.memory_space<semaphore_mem>>) src(%dma_wait3A_373 : memref<1280xi32, #tpu.memory_space<hbm>>) dst(%arg9 : memref<1280xi32, #tpu.memory_space<vmem>>)
        tpu.yield
      }) : () -> ()
      %dma_start3A = arith.constant 0 : i32
      %dma_start3A_66 = tpu.memref_slice %arg8[%dma_start3A] : memref<1280xi32, #tpu.memory_space<vmem>> -> memref<128xi32, #tpu.memory_space<vmem>>
      %dma_start3A_67 = arith.constant 0 : i32
      %dma_start3A_68 = arith.constant 0 : i32
      %dma_start3A_69 = tpu.memref_slice %arg2[%dma_start3A_67, %dma_start3A_68] : memref<10000x128xf32, #tpu.memory_space<hbm>> -> memref<10000x128xf32, #tpu.memory_space<hbm>>
      tpu.enqueue_indirect_dma source(%dma_start3A_69 : memref<10000x128xf32, #tpu.memory_space<hbm>>) target(%arg10 : memref<128x128xf32, #tpu.memory_space<vmem>>) offsets(%dma_start3A_66 : memref<128xi32, #tpu.memory_space<vmem>>) semaphore(%arg17 : memref<!tpu.dma_semaphore, #tpu.memory_space<semaphore_mem>>)
      %dma_wait3A = arith.constant 0 : i32
      %dma_wait3A_70 = tpu.memref_slice %arg8[%dma_wait3A] : memref<1280xi32, #tpu.memory_space<vmem>> -> memref<128xi32, #tpu.memory_space<vmem>>
      %dma_wait3A_71 = arith.constant 0 : i32
      %dma_wait3A_72 = arith.constant 0 : i32
      %dma_wait3A_73 = tpu.memref_slice %arg2[%dma_wait3A_71, %dma_wait3A_72] : memref<10000x128xf32, #tpu.memory_space<hbm>> -> memref<10000x128xf32, #tpu.memory_space<hbm>>
      tpu.wait_indirect_dma semaphore(%arg17 : memref<!tpu.dma_semaphore, #tpu.memory_space<semaphore_mem>>) src(%dma_wait3A_73 : memref<10000x128xf32, #tpu.memory_space<hbm>>) dst(%arg10 : memref<128x128xf32, #tpu.memory_space<vmem>>)
      %dma_start3A_74 = arith.constant 128 : i32
      %dma_start3A_75 = tpu.memref_slice %arg8[%dma_start3A_74] : memref<1280xi32, #tpu.memory_space<vmem>> -> memref<128xi32, #tpu.memory_space<vmem>>
      %dma_start3A_76 = arith.constant 0 : i32
      %dma_start3A_77 = arith.constant 0 : i32
      %dma_start3A_78 = tpu.memref_slice %arg2[%dma_start3A_76, %dma_start3A_77] : memref<10000x128xf32, #tpu.memory_space<hbm>> -> memref<10000x128xf32, #tpu.memory_space<hbm>>
      tpu.enqueue_indirect_dma source(%dma_start3A_78 : memref<10000x128xf32, #tpu.memory_space<hbm>>) target(%arg11 : memref<128x128xf32, #tpu.memory_space<vmem>>) offsets(%dma_start3A_75 : memref<128xi32, #tpu.memory_space<vmem>>) semaphore(%arg18 : memref<!tpu.dma_semaphore, #tpu.memory_space<semaphore_mem>>)
      %dma_start3A_79 = arith.constant 0 : i32
      %dma_start3A_80 = tpu.memref_slice %arg9[%dma_start3A_79] : memref<1280xi32, #tpu.memory_space<vmem>> -> memref<128xi32, #tpu.memory_space<vmem>>
      %dma_start3A_81 = arith.constant 0 : i32
      %dma_start3A_82 = arith.constant 0 : i32
      %dma_start3A_83 = tpu.memref_slice %arg15[%dma_start3A_81, %dma_start3A_82] : memref<10240x128xf32, #tpu.memory_space<vmem_shared>> -> memref<10240x128xf32, #tpu.memory_space<vmem_shared>>
      tpu.enqueue_indirect_dma source(%arg10 : memref<128x128xf32, #tpu.memory_space<vmem>>) target(%dma_start3A_83 : memref<10240x128xf32, #tpu.memory_space<vmem_shared>>) offsets(%dma_start3A_80 : memref<128xi32, #tpu.memory_space<vmem>>) semaphore(%arg19 : memref<!tpu.dma_semaphore, #tpu.memory_space<semaphore_mem>>) {add = true}
      %dma_start3A_84 = arith.constant 0 : i32
      %dma_start3A_85 = tpu.memref_slice %arg9[%dma_start3A_84] : memref<1280xi32, #tpu.memory_space<vmem>> -> memref<128xi32, #tpu.memory_space<vmem>>
      %dma_start3A_86 = arith.constant 0 : i32
      %dma_start3A_87 = arith.constant 0 : i32
      %dma_start3A_88 = tpu.memref_slice %arg16[%dma_start3A_86, %dma_start3A_87] : memref<10240x16xf32, #tpu.memory_space<vmem_shared>> -> memref<10240x16xf32, #tpu.memory_space<vmem_shared>>
      tpu.enqueue_indirect_dma source(%arg12 : memref<128x16xf32, #tpu.memory_space<vmem>>) target(%dma_start3A_88 : memref<10240x16xf32, #tpu.memory_space<vmem_shared>>) offsets(%dma_start3A_85 : memref<128xi32, #tpu.memory_space<vmem>>) semaphore(%arg21 : memref<!tpu.dma_semaphore, #tpu.memory_space<semaphore_mem>>) {add = true}
      %dma_wait3A_89 = arith.constant 128 : i32
      %dma_wait3A_90 = tpu.memref_slice %arg8[%dma_wait3A_89] : memref<1280xi32, #tpu.memory_space<vmem>> -> memref<128xi32, #tpu.memory_space<vmem>>
      %dma_wait3A_91 = arith.constant 0 : i32
      %dma_wait3A_92 = arith.constant 0 : i32
      %dma_wait3A_93 = tpu.memref_slice %arg2[%dma_wait3A_91, %dma_wait3A_92] : memref<10000x128xf32, #tpu.memory_space<hbm>> -> memref<10000x128xf32, #tpu.memory_space<hbm>>
      tpu.wait_indirect_dma semaphore(%arg18 : memref<!tpu.dma_semaphore, #tpu.memory_space<semaphore_mem>>) src(%dma_wait3A_93 : memref<10000x128xf32, #tpu.memory_space<hbm>>) dst(%arg11 : memref<128x128xf32, #tpu.memory_space<vmem>>)
      %dma_wait3A_94 = arith.constant 0 : i32
      %dma_wait3A_95 = tpu.memref_slice %arg9[%dma_wait3A_94] : memref<1280xi32, #tpu.memory_space<vmem>> -> memref<128xi32, #tpu.memory_space<vmem>>
      %dma_wait3A_96 = arith.constant 0 : i32
      %dma_wait3A_97 = arith.constant 0 : i32
      %dma_wait3A_98 = tpu.memref_slice %arg15[%dma_wait3A_96, %dma_wait3A_97] : memref<10240x128xf32, #tpu.memory_space<vmem_shared>> -> memref<10240x128xf32, #tpu.memory_space<vmem_shared>>
      tpu.wait_indirect_dma semaphore(%arg19 : memref<!tpu.dma_semaphore, #tpu.memory_space<semaphore_mem>>) src(%arg10 : memref<128x128xf32, #tpu.memory_space<vmem>>) dst(%dma_wait3A_98 : memref<10240x128xf32, #tpu.memory_space<vmem_shared>>)
      %dma_wait3A_99 = arith.constant 0 : i32
      %dma_wait3A_100 = tpu.memref_slice %arg9[%dma_wait3A_99] : memref<1280xi32, #tpu.memory_space<vmem>> -> memref<128xi32, #tpu.memory_space<vmem>>
      %dma_wait3A_101 = arith.constant 0 : i32
      %dma_wait3A_102 = arith.constant 0 : i32
      %dma_wait3A_103 = tpu.memref_slice %arg16[%dma_wait3A_101, %dma_wait3A_102] : memref<10240x16xf32, #tpu.memory_space<vmem_shared>> -> memref<10240x16xf32, #tpu.memory_space<vmem_shared>>
      tpu.wait_indirect_dma semaphore(%arg21 : memref<!tpu.dma_semaphore, #tpu.memory_space<semaphore_mem>>) src(%arg12 : memref<128x16xf32, #tpu.memory_space<vmem>>) dst(%dma_wait3A_103 : memref<10240x16xf32, #tpu.memory_space<vmem_shared>>)
      %dma_start3A_104 = arith.constant 256 : i32
      %dma_start3A_105 = tpu.memref_slice %arg8[%dma_start3A_104] : memref<1280xi32, #tpu.memory_space<vmem>> -> memref<128xi32, #tpu.memory_space<vmem>>
      %dma_start3A_106 = arith.constant 0 : i32
      %dma_start3A_107 = arith.constant 0 : i32
      %dma_start3A_108 = tpu.memref_slice %arg2[%dma_start3A_106, %dma_start3A_107] : memref<10000x128xf32, #tpu.memory_space<hbm>> -> memref<10000x128xf32, #tpu.memory_space<hbm>>
      tpu.enqueue_indirect_dma source(%dma_start3A_108 : memref<10000x128xf32, #tpu.memory_space<hbm>>) target(%arg10 : memref<128x128xf32, #tpu.memory_space<vmem>>) offsets(%dma_start3A_105 : memref<128xi32, #tpu.memory_space<vmem>>) semaphore(%arg17 : memref<!tpu.dma_semaphore, #tpu.memory_space<semaphore_mem>>)
      %dma_start3A_109 = arith.constant 128 : i32
      %dma_start3A_110 = tpu.memref_slice %arg9[%dma_start3A_109] : memref<1280xi32, #tpu.memory_space<vmem>> -> memref<128xi32, #tpu.memory_space<vmem>>
      %dma_start3A_111 = arith.constant 0 : i32
      %dma_start3A_112 = arith.constant 0 : i32
      %dma_start3A_113 = tpu.memref_slice %arg15[%dma_start3A_111, %dma_start3A_112] : memref<10240x128xf32, #tpu.memory_space<vmem_shared>> -> memref<10240x128xf32, #tpu.memory_space<vmem_shared>>
      tpu.enqueue_indirect_dma source(%arg11 : memref<128x128xf32, #tpu.memory_space<vmem>>) target(%dma_start3A_113 : memref<10240x128xf32, #tpu.memory_space<vmem_shared>>) offsets(%dma_start3A_110 : memref<128xi32, #tpu.memory_space<vmem>>) semaphore(%arg20 : memref<!tpu.dma_semaphore, #tpu.memory_space<semaphore_mem>>) {add = true}
      %dma_start3A_114 = arith.constant 128 : i32
      %dma_start3A_115 = tpu.memref_slice %arg9[%dma_start3A_114] : memref<1280xi32, #tpu.memory_space<vmem>> -> memref<128xi32, #tpu.memory_space<vmem>>
      %dma_start3A_116 = arith.constant 0 : i32
      %dma_start3A_117 = arith.constant 0 : i32
      %dma_start3A_118 = tpu.memref_slice %arg16[%dma_start3A_116, %dma_start3A_117] : memref<10240x16xf32, #tpu.memory_space<vmem_shared>> -> memref<10240x16xf32, #tpu.memory_space<vmem_shared>>
      tpu.enqueue_indirect_dma source(%arg12 : memref<128x16xf32, #tpu.memory_space<vmem>>) target(%dma_start3A_118 : memref<10240x16xf32, #tpu.memory_space<vmem_shared>>) offsets(%dma_start3A_115 : memref<128xi32, #tpu.memory_space<vmem>>) semaphore(%arg22 : memref<!tpu.dma_semaphore, #tpu.memory_space<semaphore_mem>>) {add = true}
      %dma_wait3A_119 = arith.constant 256 : i32
      %dma_wait3A_120 = tpu.memref_slice %arg8[%dma_wait3A_119] : memref<1280xi32, #tpu.memory_space<vmem>> -> memref<128xi32, #tpu.memory_space<vmem>>
      %dma_wait3A_121 = arith.constant 0 : i32
      %dma_wait3A_122 = arith.constant 0 : i32
      %dma_wait3A_123 = tpu.memref_slice %arg2[%dma_wait3A_121, %dma_wait3A_122] : memref<10000x128xf32, #tpu.memory_space<hbm>> -> memref<10000x128xf32, #tpu.memory_space<hbm>>
      tpu.wait_indirect_dma semaphore(%arg17 : memref<!tpu.dma_semaphore, #tpu.memory_space<semaphore_mem>>) src(%dma_wait3A_123 : memref<10000x128xf32, #tpu.memory_space<hbm>>) dst(%arg10 : memref<128x128xf32, #tpu.memory_space<vmem>>)
      %dma_wait3A_124 = arith.constant 128 : i32
      %dma_wait3A_125 = tpu.memref_slice %arg9[%dma_wait3A_124] : memref<1280xi32, #tpu.memory_space<vmem>> -> memref<128xi32, #tpu.memory_space<vmem>>
      %dma_wait3A_126 = arith.constant 0 : i32
      %dma_wait3A_127 = arith.constant 0 : i32
      %dma_wait3A_128 = tpu.memref_slice %arg15[%dma_wait3A_126, %dma_wait3A_127] : memref<10240x128xf32, #tpu.memory_space<vmem_shared>> -> memref<10240x128xf32, #tpu.memory_space<vmem_shared>>
      tpu.wait_indirect_dma semaphore(%arg20 : memref<!tpu.dma_semaphore, #tpu.memory_space<semaphore_mem>>) src(%arg11 : memref<128x128xf32, #tpu.memory_space<vmem>>) dst(%dma_wait3A_128 : memref<10240x128xf32, #tpu.memory_space<vmem_shared>>)
      %dma_wait3A_129 = arith.constant 128 : i32
      %dma_wait3A_130 = tpu.memref_slice %arg9[%dma_wait3A_129] : memref<1280xi32, #tpu.memory_space<vmem>> -> memref<128xi32, #tpu.memory_space<vmem>>
      %dma_wait3A_131 = arith.constant 0 : i32
      %dma_wait3A_132 = arith.constant 0 : i32
      %dma_wait3A_133 = tpu.memref_slice %arg16[%dma_wait3A_131, %dma_wait3A_132] : memref<10240x16xf32, #tpu.memory_space<vmem_shared>> -> memref<10240x16xf32, #tpu.memory_space<vmem_shared>>
      tpu.wait_indirect_dma semaphore(%arg22 : memref<!tpu.dma_semaphore, #tpu.memory_space<semaphore_mem>>) src(%arg12 : memref<128x16xf32, #tpu.memory_space<vmem>>) dst(%dma_wait3A_133 : memref<10240x16xf32, #tpu.memory_space<vmem_shared>>)
      %dma_start3A_134 = arith.constant 384 : i32
      %dma_start3A_135 = tpu.memref_slice %arg8[%dma_start3A_134] : memref<1280xi32, #tpu.memory_space<vmem>> -> memref<128xi32, #tpu.memory_space<vmem>>
      %dma_start3A_136 = arith.constant 0 : i32
      %dma_start3A_137 = arith.constant 0 : i32
      %dma_start3A_138 = tpu.memref_slice %arg2[%dma_start3A_136, %dma_start3A_137] : memref<10000x128xf32, #tpu.memory_space<hbm>> -> memref<10000x128xf32, #tpu.memory_space<hbm>>
      tpu.enqueue_indirect_dma source(%dma_start3A_138 : memref<10000x128xf32, #tpu.memory_space<hbm>>) target(%arg11 : memref<128x128xf32, #tpu.memory_space<vmem>>) offsets(%dma_start3A_135 : memref<128xi32, #tpu.memory_space<vmem>>) semaphore(%arg18 : memref<!tpu.dma_semaphore, #tpu.memory_space<semaphore_mem>>)
      %dma_start3A_139 = arith.constant 256 : i32
      %dma_start3A_140 = tpu.memref_slice %arg9[%dma_start3A_139] : memref<1280xi32, #tpu.memory_space<vmem>> -> memref<128xi32, #tpu.memory_space<vmem>>
      %dma_start3A_141 = arith.constant 0 : i32
      %dma_start3A_142 = arith.constant 0 : i32
      %dma_start3A_143 = tpu.memref_slice %arg15[%dma_start3A_141, %dma_start3A_142] : memref<10240x128xf32, #tpu.memory_space<vmem_shared>> -> memref<10240x128xf32, #tpu.memory_space<vmem_shared>>
      tpu.enqueue_indirect_dma source(%arg10 : memref<128x128xf32, #tpu.memory_space<vmem>>) target(%dma_start3A_143 : memref<10240x128xf32, #tpu.memory_space<vmem_shared>>) offsets(%dma_start3A_140 : memref<128xi32, #tpu.memory_space<vmem>>) semaphore(%arg19 : memref<!tpu.dma_semaphore, #tpu.memory_space<semaphore_mem>>) {add = true}
      %dma_start3A_144 = arith.constant 256 : i32
      %dma_start3A_145 = tpu.memref_slice %arg9[%dma_start3A_144] : memref<1280xi32, #tpu.memory_space<vmem>> -> memref<128xi32, #tpu.memory_space<vmem>>
      %dma_start3A_146 = arith.constant 0 : i32
      %dma_start3A_147 = arith.constant 0 : i32
      %dma_start3A_148 = tpu.memref_slice %arg16[%dma_start3A_146, %dma_start3A_147] : memref<10240x16xf32, #tpu.memory_space<vmem_shared>> -> memref<10240x16xf32, #tpu.memory_space<vmem_shared>>
      tpu.enqueue_indirect_dma source(%arg12 : memref<128x16xf32, #tpu.memory_space<vmem>>) target(%dma_start3A_148 : memref<10240x16xf32, #tpu.memory_space<vmem_shared>>) offsets(%dma_start3A_145 : memref<128xi32, #tpu.memory_space<vmem>>) semaphore(%arg21 : memref<!tpu.dma_semaphore, #tpu.memory_space<semaphore_mem>>) {add = true}
      %dma_wait3A_149 = arith.constant 384 : i32
      %dma_wait3A_150 = tpu.memref_slice %arg8[%dma_wait3A_149] : memref<1280xi32, #tpu.memory_space<vmem>> -> memref<128xi32, #tpu.memory_space<vmem>>
      %dma_wait3A_151 = arith.constant 0 : i32
      %dma_wait3A_152 = arith.constant 0 : i32
      %dma_wait3A_153 = tpu.memref_slice %arg2[%dma_wait3A_151, %dma_wait3A_152] : memref<10000x128xf32, #tpu.memory_space<hbm>> -> memref<10000x128xf32, #tpu.memory_space<hbm>>
      tpu.wait_indirect_dma semaphore(%arg18 : memref<!tpu.dma_semaphore, #tpu.memory_space<semaphore_mem>>) src(%dma_wait3A_153 : memref<10000x128xf32, #tpu.memory_space<hbm>>) dst(%arg11 : memref<128x128xf32, #tpu.memory_space<vmem>>)
      %dma_wait3A_154 = arith.constant 256 : i32
      %dma_wait3A_155 = tpu.memref_slice %arg9[%dma_wait3A_154] : memref<1280xi32, #tpu.memory_space<vmem>> -> memref<128xi32, #tpu.memory_space<vmem>>
      %dma_wait3A_156 = arith.constant 0 : i32
      %dma_wait3A_157 = arith.constant 0 : i32
      %dma_wait3A_158 = tpu.memref_slice %arg15[%dma_wait3A_156, %dma_wait3A_157] : memref<10240x128xf32, #tpu.memory_space<vmem_shared>> -> memref<10240x128xf32, #tpu.memory_space<vmem_shared>>
      tpu.wait_indirect_dma semaphore(%arg19 : memref<!tpu.dma_semaphore, #tpu.memory_space<semaphore_mem>>) src(%arg10 : memref<128x128xf32, #tpu.memory_space<vmem>>) dst(%dma_wait3A_158 : memref<10240x128xf32, #tpu.memory_space<vmem_shared>>)
      %dma_wait3A_159 = arith.constant 256 : i32
      %dma_wait3A_160 = tpu.memref_slice %arg9[%dma_wait3A_159] : memref<1280xi32, #tpu.memory_space<vmem>> -> memref<128xi32, #tpu.memory_space<vmem>>
      %dma_wait3A_161 = arith.constant 0 : i32
      %dma_wait3A_162 = arith.constant 0 : i32
      %dma_wait3A_163 = tpu.memref_slice %arg16[%dma_wait3A_161, %dma_wait3A_162] : memref<10240x16xf32, #tpu.memory_space<vmem_shared>> -> memref<10240x16xf32, #tpu.memory_space<vmem_shared>>
      tpu.wait_indirect_dma semaphore(%arg21 : memref<!tpu.dma_semaphore, #tpu.memory_space<semaphore_mem>>) src(%arg12 : memref<128x16xf32, #tpu.memory_space<vmem>>) dst(%dma_wait3A_163 : memref<10240x16xf32, #tpu.memory_space<vmem_shared>>)
      %dma_start3A_164 = arith.constant 512 : i32
      %dma_start3A_165 = tpu.memref_slice %arg8[%dma_start3A_164] : memref<1280xi32, #tpu.memory_space<vmem>> -> memref<128xi32, #tpu.memory_space<vmem>>
      %dma_start3A_166 = arith.constant 0 : i32
      %dma_start3A_167 = arith.constant 0 : i32
      %dma_start3A_168 = tpu.memref_slice %arg2[%dma_start3A_166, %dma_start3A_167] : memref<10000x128xf32, #tpu.memory_space<hbm>> -> memref<10000x128xf32, #tpu.memory_space<hbm>>
      tpu.enqueue_indirect_dma source(%dma_start3A_168 : memref<10000x128xf32, #tpu.memory_space<hbm>>) target(%arg10 : memref<128x128xf32, #tpu.memory_space<vmem>>) offsets(%dma_start3A_165 : memref<128xi32, #tpu.memory_space<vmem>>) semaphore(%arg17 : memref<!tpu.dma_semaphore, #tpu.memory_space<semaphore_mem>>)
      %dma_start3A_169 = arith.constant 384 : i32
      %dma_start3A_170 = tpu.memref_slice %arg9[%dma_start3A_169] : memref<1280xi32, #tpu.memory_space<vmem>> -> memref<128xi32, #tpu.memory_space<vmem>>
      %dma_start3A_171 = arith.constant 0 : i32
      %dma_start3A_172 = arith.constant 0 : i32
      %dma_start3A_173 = tpu.memref_slice %arg15[%dma_start3A_171, %dma_start3A_172] : memref<10240x128xf32, #tpu.memory_space<vmem_shared>> -> memref<10240x128xf32, #tpu.memory_space<vmem_shared>>
      tpu.enqueue_indirect_dma source(%arg11 : memref<128x128xf32, #tpu.memory_space<vmem>>) target(%dma_start3A_173 : memref<10240x128xf32, #tpu.memory_space<vmem_shared>>) offsets(%dma_start3A_170 : memref<128xi32, #tpu.memory_space<vmem>>) semaphore(%arg20 : memref<!tpu.dma_semaphore, #tpu.memory_space<semaphore_mem>>) {add = true}
      %dma_start3A_174 = arith.constant 384 : i32
      %dma_start3A_175 = tpu.memref_slice %arg9[%dma_start3A_174] : memref<1280xi32, #tpu.memory_space<vmem>> -> memref<128xi32, #tpu.memory_space<vmem>>
      %dma_start3A_176 = arith.constant 0 : i32
      %dma_start3A_177 = arith.constant 0 : i32
      %dma_start3A_178 = tpu.memref_slice %arg16[%dma_start3A_176, %dma_start3A_177] : memref<10240x16xf32, #tpu.memory_space<vmem_shared>> -> memref<10240x16xf32, #tpu.memory_space<vmem_shared>>
      tpu.enqueue_indirect_dma source(%arg12 : memref<128x16xf32, #tpu.memory_space<vmem>>) target(%dma_start3A_178 : memref<10240x16xf32, #tpu.memory_space<vmem_shared>>) offsets(%dma_start3A_175 : memref<128xi32, #tpu.memory_space<vmem>>) semaphore(%arg22 : memref<!tpu.dma_semaphore, #tpu.memory_space<semaphore_mem>>) {add = true}
      %dma_wait3A_179 = arith.constant 512 : i32
      %dma_wait3A_180 = tpu.memref_slice %arg8[%dma_wait3A_179] : memref<1280xi32, #tpu.memory_space<vmem>> -> memref<128xi32, #tpu.memory_space<vmem>>
      %dma_wait3A_181 = arith.constant 0 : i32
      %dma_wait3A_182 = arith.constant 0 : i32
      %dma_wait3A_183 = tpu.memref_slice %arg2[%dma_wait3A_181, %dma_wait3A_182] : memref<10000x128xf32, #tpu.memory_space<hbm>> -> memref<10000x128xf32, #tpu.memory_space<hbm>>
      tpu.wait_indirect_dma semaphore(%arg17 : memref<!tpu.dma_semaphore, #tpu.memory_space<semaphore_mem>>) src(%dma_wait3A_183 : memref<10000x128xf32, #tpu.memory_space<hbm>>) dst(%arg10 : memref<128x128xf32, #tpu.memory_space<vmem>>)
      %dma_wait3A_184 = arith.constant 384 : i32
      %dma_wait3A_185 = tpu.memref_slice %arg9[%dma_wait3A_184] : memref<1280xi32, #tpu.memory_space<vmem>> -> memref<128xi32, #tpu.memory_space<vmem>>
      %dma_wait3A_186 = arith.constant 0 : i32
      %dma_wait3A_187 = arith.constant 0 : i32
      %dma_wait3A_188 = tpu.memref_slice %arg15[%dma_wait3A_186, %dma_wait3A_187] : memref<10240x128xf32, #tpu.memory_space<vmem_shared>> -> memref<10240x128xf32, #tpu.memory_space<vmem_shared>>
      tpu.wait_indirect_dma semaphore(%arg20 : memref<!tpu.dma_semaphore, #tpu.memory_space<semaphore_mem>>) src(%arg11 : memref<128x128xf32, #tpu.memory_space<vmem>>) dst(%dma_wait3A_188 : memref<10240x128xf32, #tpu.memory_space<vmem_shared>>)
      %dma_wait3A_189 = arith.constant 384 : i32
      %dma_wait3A_190 = tpu.memref_slice %arg9[%dma_wait3A_189] : memref<1280xi32, #tpu.memory_space<vmem>> -> memref<128xi32, #tpu.memory_space<vmem>>
      %dma_wait3A_191 = arith.constant 0 : i32
      %dma_wait3A_192 = arith.constant 0 : i32
      %dma_wait3A_193 = tpu.memref_slice %arg16[%dma_wait3A_191, %dma_wait3A_192] : memref<10240x16xf32, #tpu.memory_space<vmem_shared>> -> memref<10240x16xf32, #tpu.memory_space<vmem_shared>>
      tpu.wait_indirect_dma semaphore(%arg22 : memref<!tpu.dma_semaphore, #tpu.memory_space<semaphore_mem>>) src(%arg12 : memref<128x16xf32, #tpu.memory_space<vmem>>) dst(%dma_wait3A_193 : memref<10240x16xf32, #tpu.memory_space<vmem_shared>>)
      %dma_start3A_194 = arith.constant 640 : i32
      %dma_start3A_195 = tpu.memref_slice %arg8[%dma_start3A_194] : memref<1280xi32, #tpu.memory_space<vmem>> -> memref<128xi32, #tpu.memory_space<vmem>>
      %dma_start3A_196 = arith.constant 0 : i32
      %dma_start3A_197 = arith.constant 0 : i32
      %dma_start3A_198 = tpu.memref_slice %arg2[%dma_start3A_196, %dma_start3A_197] : memref<10000x128xf32, #tpu.memory_space<hbm>> -> memref<10000x128xf32, #tpu.memory_space<hbm>>
      tpu.enqueue_indirect_dma source(%dma_start3A_198 : memref<10000x128xf32, #tpu.memory_space<hbm>>) target(%arg11 : memref<128x128xf32, #tpu.memory_space<vmem>>) offsets(%dma_start3A_195 : memref<128xi32, #tpu.memory_space<vmem>>) semaphore(%arg18 : memref<!tpu.dma_semaphore, #tpu.memory_space<semaphore_mem>>)
      %dma_start3A_199 = arith.constant 512 : i32
      %dma_start3A_200 = tpu.memref_slice %arg9[%dma_start3A_199] : memref<1280xi32, #tpu.memory_space<vmem>> -> memref<128xi32, #tpu.memory_space<vmem>>
      %dma_start3A_201 = arith.constant 0 : i32
      %dma_start3A_202 = arith.constant 0 : i32
      %dma_start3A_203 = tpu.memref_slice %arg15[%dma_start3A_201, %dma_start3A_202] : memref<10240x128xf32, #tpu.memory_space<vmem_shared>> -> memref<10240x128xf32, #tpu.memory_space<vmem_shared>>
      tpu.enqueue_indirect_dma source(%arg10 : memref<128x128xf32, #tpu.memory_space<vmem>>) target(%dma_start3A_203 : memref<10240x128xf32, #tpu.memory_space<vmem_shared>>) offsets(%dma_start3A_200 : memref<128xi32, #tpu.memory_space<vmem>>) semaphore(%arg19 : memref<!tpu.dma_semaphore, #tpu.memory_space<semaphore_mem>>) {add = true}
      %dma_start3A_204 = arith.constant 512 : i32
      %dma_start3A_205 = tpu.memref_slice %arg9[%dma_start3A_204] : memref<1280xi32, #tpu.memory_space<vmem>> -> memref<128xi32, #tpu.memory_space<vmem>>
      %dma_start3A_206 = arith.constant 0 : i32
      %dma_start3A_207 = arith.constant 0 : i32
      %dma_start3A_208 = tpu.memref_slice %arg16[%dma_start3A_206, %dma_start3A_207] : memref<10240x16xf32, #tpu.memory_space<vmem_shared>> -> memref<10240x16xf32, #tpu.memory_space<vmem_shared>>
      tpu.enqueue_indirect_dma source(%arg12 : memref<128x16xf32, #tpu.memory_space<vmem>>) target(%dma_start3A_208 : memref<10240x16xf32, #tpu.memory_space<vmem_shared>>) offsets(%dma_start3A_205 : memref<128xi32, #tpu.memory_space<vmem>>) semaphore(%arg21 : memref<!tpu.dma_semaphore, #tpu.memory_space<semaphore_mem>>) {add = true}
      %dma_wait3A_209 = arith.constant 640 : i32
      %dma_wait3A_210 = tpu.memref_slice %arg8[%dma_wait3A_209] : memref<1280xi32, #tpu.memory_space<vmem>> -> memref<128xi32, #tpu.memory_space<vmem>>
      %dma_wait3A_211 = arith.constant 0 : i32
      %dma_wait3A_212 = arith.constant 0 : i32
      %dma_wait3A_213 = tpu.memref_slice %arg2[%dma_wait3A_211, %dma_wait3A_212] : memref<10000x128xf32, #tpu.memory_space<hbm>> -> memref<10000x128xf32, #tpu.memory_space<hbm>>
      tpu.wait_indirect_dma semaphore(%arg18 : memref<!tpu.dma_semaphore, #tpu.memory_space<semaphore_mem>>) src(%dma_wait3A_213 : memref<10000x128xf32, #tpu.memory_space<hbm>>) dst(%arg11 : memref<128x128xf32, #tpu.memory_space<vmem>>)
      %dma_wait3A_214 = arith.constant 512 : i32
      %dma_wait3A_215 = tpu.memref_slice %arg9[%dma_wait3A_214] : memref<1280xi32, #tpu.memory_space<vmem>> -> memref<128xi32, #tpu.memory_space<vmem>>
      %dma_wait3A_216 = arith.constant 0 : i32
      %dma_wait3A_217 = arith.constant 0 : i32
      %dma_wait3A_218 = tpu.memref_slice %arg15[%dma_wait3A_216, %dma_wait3A_217] : memref<10240x128xf32, #tpu.memory_space<vmem_shared>> -> memref<10240x128xf32, #tpu.memory_space<vmem_shared>>
      tpu.wait_indirect_dma semaphore(%arg19 : memref<!tpu.dma_semaphore, #tpu.memory_space<semaphore_mem>>) src(%arg10 : memref<128x128xf32, #tpu.memory_space<vmem>>) dst(%dma_wait3A_218 : memref<10240x128xf32, #tpu.memory_space<vmem_shared>>)
      %dma_wait3A_219 = arith.constant 512 : i32
      %dma_wait3A_220 = tpu.memref_slice %arg9[%dma_wait3A_219] : memref<1280xi32, #tpu.memory_space<vmem>> -> memref<128xi32, #tpu.memory_space<vmem>>
      %dma_wait3A_221 = arith.constant 0 : i32
      %dma_wait3A_222 = arith.constant 0 : i32
      %dma_wait3A_223 = tpu.memref_slice %arg16[%dma_wait3A_221, %dma_wait3A_222] : memref<10240x16xf32, #tpu.memory_space<vmem_shared>> -> memref<10240x16xf32, #tpu.memory_space<vmem_shared>>
      tpu.wait_indirect_dma semaphore(%arg21 : memref<!tpu.dma_semaphore, #tpu.memory_space<semaphore_mem>>) src(%arg12 : memref<128x16xf32, #tpu.memory_space<vmem>>) dst(%dma_wait3A_223 : memref<10240x16xf32, #tpu.memory_space<vmem_shared>>)
      %dma_start3A_224 = arith.constant 768 : i32
      %dma_start3A_225 = tpu.memref_slice %arg8[%dma_start3A_224] : memref<1280xi32, #tpu.memory_space<vmem>> -> memref<128xi32, #tpu.memory_space<vmem>>
      %dma_start3A_226 = arith.constant 0 : i32
      %dma_start3A_227 = arith.constant 0 : i32
      %dma_start3A_228 = tpu.memref_slice %arg2[%dma_start3A_226, %dma_start3A_227] : memref<10000x128xf32, #tpu.memory_space<hbm>> -> memref<10000x128xf32, #tpu.memory_space<hbm>>
      tpu.enqueue_indirect_dma source(%dma_start3A_228 : memref<10000x128xf32, #tpu.memory_space<hbm>>) target(%arg10 : memref<128x128xf32, #tpu.memory_space<vmem>>) offsets(%dma_start3A_225 : memref<128xi32, #tpu.memory_space<vmem>>) semaphore(%arg17 : memref<!tpu.dma_semaphore, #tpu.memory_space<semaphore_mem>>)
      %dma_start3A_229 = arith.constant 640 : i32
      %dma_start3A_230 = tpu.memref_slice %arg9[%dma_start3A_229] : memref<1280xi32, #tpu.memory_space<vmem>> -> memref<128xi32, #tpu.memory_space<vmem>>
      %dma_start3A_231 = arith.constant 0 : i32
      %dma_start3A_232 = arith.constant 0 : i32
      %dma_start3A_233 = tpu.memref_slice %arg15[%dma_start3A_231, %dma_start3A_232] : memref<10240x128xf32, #tpu.memory_space<vmem_shared>> -> memref<10240x128xf32, #tpu.memory_space<vmem_shared>>
      tpu.enqueue_indirect_dma source(%arg11 : memref<128x128xf32, #tpu.memory_space<vmem>>) target(%dma_start3A_233 : memref<10240x128xf32, #tpu.memory_space<vmem_shared>>) offsets(%dma_start3A_230 : memref<128xi32, #tpu.memory_space<vmem>>) semaphore(%arg20 : memref<!tpu.dma_semaphore, #tpu.memory_space<semaphore_mem>>) {add = true}
      %dma_start3A_234 = arith.constant 640 : i32
      %dma_start3A_235 = tpu.memref_slice %arg9[%dma_start3A_234] : memref<1280xi32, #tpu.memory_space<vmem>> -> memref<128xi32, #tpu.memory_space<vmem>>
      %dma_start3A_236 = arith.constant 0 : i32
      %dma_start3A_237 = arith.constant 0 : i32
      %dma_start3A_238 = tpu.memref_slice %arg16[%dma_start3A_236, %dma_start3A_237] : memref<10240x16xf32, #tpu.memory_space<vmem_shared>> -> memref<10240x16xf32, #tpu.memory_space<vmem_shared>>
      tpu.enqueue_indirect_dma source(%arg12 : memref<128x16xf32, #tpu.memory_space<vmem>>) target(%dma_start3A_238 : memref<10240x16xf32, #tpu.memory_space<vmem_shared>>) offsets(%dma_start3A_235 : memref<128xi32, #tpu.memory_space<vmem>>) semaphore(%arg22 : memref<!tpu.dma_semaphore, #tpu.memory_space<semaphore_mem>>) {add = true}
      %dma_wait3A_239 = arith.constant 768 : i32
      %dma_wait3A_240 = tpu.memref_slice %arg8[%dma_wait3A_239] : memref<1280xi32, #tpu.memory_space<vmem>> -> memref<128xi32, #tpu.memory_space<vmem>>
      %dma_wait3A_241 = arith.constant 0 : i32
      %dma_wait3A_242 = arith.constant 0 : i32
      %dma_wait3A_243 = tpu.memref_slice %arg2[%dma_wait3A_241, %dma_wait3A_242] : memref<10000x128xf32, #tpu.memory_space<hbm>> -> memref<10000x128xf32, #tpu.memory_space<hbm>>
      tpu.wait_indirect_dma semaphore(%arg17 : memref<!tpu.dma_semaphore, #tpu.memory_space<semaphore_mem>>) src(%dma_wait3A_243 : memref<10000x128xf32, #tpu.memory_space<hbm>>) dst(%arg10 : memref<128x128xf32, #tpu.memory_space<vmem>>)
      %dma_wait3A_244 = arith.constant 640 : i32
      %dma_wait3A_245 = tpu.memref_slice %arg9[%dma_wait3A_244] : memref<1280xi32, #tpu.memory_space<vmem>> -> memref<128xi32, #tpu.memory_space<vmem>>
      %dma_wait3A_246 = arith.constant 0 : i32
      %dma_wait3A_247 = arith.constant 0 : i32
      %dma_wait3A_248 = tpu.memref_slice %arg15[%dma_wait3A_246, %dma_wait3A_247] : memref<10240x128xf32, #tpu.memory_space<vmem_shared>> -> memref<10240x128xf32, #tpu.memory_space<vmem_shared>>
      tpu.wait_indirect_dma semaphore(%arg20 : memref<!tpu.dma_semaphore, #tpu.memory_space<semaphore_mem>>) src(%arg11 : memref<128x128xf32, #tpu.memory_space<vmem>>) dst(%dma_wait3A_248 : memref<10240x128xf32, #tpu.memory_space<vmem_shared>>)
      %dma_wait3A_249 = arith.constant 640 : i32
      %dma_wait3A_250 = tpu.memref_slice %arg9[%dma_wait3A_249] : memref<1280xi32, #tpu.memory_space<vmem>> -> memref<128xi32, #tpu.memory_space<vmem>>
      %dma_wait3A_251 = arith.constant 0 : i32
      %dma_wait3A_252 = arith.constant 0 : i32
      %dma_wait3A_253 = tpu.memref_slice %arg16[%dma_wait3A_251, %dma_wait3A_252] : memref<10240x16xf32, #tpu.memory_space<vmem_shared>> -> memref<10240x16xf32, #tpu.memory_space<vmem_shared>>
      tpu.wait_indirect_dma semaphore(%arg22 : memref<!tpu.dma_semaphore, #tpu.memory_space<semaphore_mem>>) src(%arg12 : memref<128x16xf32, #tpu.memory_space<vmem>>) dst(%dma_wait3A_253 : memref<10240x16xf32, #tpu.memory_space<vmem_shared>>)
      %dma_start3A_254 = arith.constant 896 : i32
      %dma_start3A_255 = tpu.memref_slice %arg8[%dma_start3A_254] : memref<1280xi32, #tpu.memory_space<vmem>> -> memref<128xi32, #tpu.memory_space<vmem>>
      %dma_start3A_256 = arith.constant 0 : i32
      %dma_start3A_257 = arith.constant 0 : i32
      %dma_start3A_258 = tpu.memref_slice %arg2[%dma_start3A_256, %dma_start3A_257] : memref<10000x128xf32, #tpu.memory_space<hbm>> -> memref<10000x128xf32, #tpu.memory_space<hbm>>
      tpu.enqueue_indirect_dma source(%dma_start3A_258 : memref<10000x128xf32, #tpu.memory_space<hbm>>) target(%arg11 : memref<128x128xf32, #tpu.memory_space<vmem>>) offsets(%dma_start3A_255 : memref<128xi32, #tpu.memory_space<vmem>>) semaphore(%arg18 : memref<!tpu.dma_semaphore, #tpu.memory_space<semaphore_mem>>)
      %dma_start3A_259 = arith.constant 768 : i32
      %dma_start3A_260 = tpu.memref_slice %arg9[%dma_start3A_259] : memref<1280xi32, #tpu.memory_space<vmem>> -> memref<128xi32, #tpu.memory_space<vmem>>
      %dma_start3A_261 = arith.constant 0 : i32
      %dma_start3A_262 = arith.constant 0 : i32
      %dma_start3A_263 = tpu.memref_slice %arg15[%dma_start3A_261, %dma_start3A_262] : memref<10240x128xf32, #tpu.memory_space<vmem_shared>> -> memref<10240x128xf32, #tpu.memory_space<vmem_shared>>
      tpu.enqueue_indirect_dma source(%arg10 : memref<128x128xf32, #tpu.memory_space<vmem>>) target(%dma_start3A_263 : memref<10240x128xf32, #tpu.memory_space<vmem_shared>>) offsets(%dma_start3A_260 : memref<128xi32, #tpu.memory_space<vmem>>) semaphore(%arg19 : memref<!tpu.dma_semaphore, #tpu.memory_space<semaphore_mem>>) {add = true}
      %dma_start3A_264 = arith.constant 768 : i32
      %dma_start3A_265 = tpu.memref_slice %arg9[%dma_start3A_264] : memref<1280xi32, #tpu.memory_space<vmem>> -> memref<128xi32, #tpu.memory_space<vmem>>
      %dma_start3A_266 = arith.constant 0 : i32
      %dma_start3A_267 = arith.constant 0 : i32
      %dma_start3A_268 = tpu.memref_slice %arg16[%dma_start3A_266, %dma_start3A_267] : memref<10240x16xf32, #tpu.memory_space<vmem_shared>> -> memref<10240x16xf32, #tpu.memory_space<vmem_shared>>
      tpu.enqueue_indirect_dma source(%arg12 : memref<128x16xf32, #tpu.memory_space<vmem>>) target(%dma_start3A_268 : memref<10240x16xf32, #tpu.memory_space<vmem_shared>>) offsets(%dma_start3A_265 : memref<128xi32, #tpu.memory_space<vmem>>) semaphore(%arg21 : memref<!tpu.dma_semaphore, #tpu.memory_space<semaphore_mem>>) {add = true}
      %dma_wait3A_269 = arith.constant 896 : i32
      %dma_wait3A_270 = tpu.memref_slice %arg8[%dma_wait3A_269] : memref<1280xi32, #tpu.memory_space<vmem>> -> memref<128xi32, #tpu.memory_space<vmem>>
      %dma_wait3A_271 = arith.constant 0 : i32
      %dma_wait3A_272 = arith.constant 0 : i32
      %dma_wait3A_273 = tpu.memref_slice %arg2[%dma_wait3A_271, %dma_wait3A_272] : memref<10000x128xf32, #tpu.memory_space<hbm>> -> memref<10000x128xf32, #tpu.memory_space<hbm>>
      tpu.wait_indirect_dma semaphore(%arg18 : memref<!tpu.dma_semaphore, #tpu.memory_space<semaphore_mem>>) src(%dma_wait3A_273 : memref<10000x128xf32, #tpu.memory_space<hbm>>) dst(%arg11 : memref<128x128xf32, #tpu.memory_space<vmem>>)
      %dma_wait3A_274 = arith.constant 768 : i32
      %dma_wait3A_275 = tpu.memref_slice %arg9[%dma_wait3A_274] : memref<1280xi32, #tpu.memory_space<vmem>> -> memref<128xi32, #tpu.memory_space<vmem>>
      %dma_wait3A_276 = arith.constant 0 : i32
      %dma_wait3A_277 = arith.constant 0 : i32
      %dma_wait3A_278 = tpu.memref_slice %arg15[%dma_wait3A_276, %dma_wait3A_277] : memref<10240x128xf32, #tpu.memory_space<vmem_shared>> -> memref<10240x128xf32, #tpu.memory_space<vmem_shared>>
      tpu.wait_indirect_dma semaphore(%arg19 : memref<!tpu.dma_semaphore, #tpu.memory_space<semaphore_mem>>) src(%arg10 : memref<128x128xf32, #tpu.memory_space<vmem>>) dst(%dma_wait3A_278 : memref<10240x128xf32, #tpu.memory_space<vmem_shared>>)
      %dma_wait3A_279 = arith.constant 768 : i32
      %dma_wait3A_280 = tpu.memref_slice %arg9[%dma_wait3A_279] : memref<1280xi32, #tpu.memory_space<vmem>> -> memref<128xi32, #tpu.memory_space<vmem>>
      %dma_wait3A_281 = arith.constant 0 : i32
      %dma_wait3A_282 = arith.constant 0 : i32
      %dma_wait3A_283 = tpu.memref_slice %arg16[%dma_wait3A_281, %dma_wait3A_282] : memref<10240x16xf32, #tpu.memory_space<vmem_shared>> -> memref<10240x16xf32, #tpu.memory_space<vmem_shared>>
      tpu.wait_indirect_dma semaphore(%arg21 : memref<!tpu.dma_semaphore, #tpu.memory_space<semaphore_mem>>) src(%arg12 : memref<128x16xf32, #tpu.memory_space<vmem>>) dst(%dma_wait3A_283 : memref<10240x16xf32, #tpu.memory_space<vmem_shared>>)
      %dma_start3A_284 = arith.constant 1024 : i32
      %dma_start3A_285 = tpu.memref_slice %arg8[%dma_start3A_284] : memref<1280xi32, #tpu.memory_space<vmem>> -> memref<128xi32, #tpu.memory_space<vmem>>
      %dma_start3A_286 = arith.constant 0 : i32
      %dma_start3A_287 = arith.constant 0 : i32
      %dma_start3A_288 = tpu.memref_slice %arg2[%dma_start3A_286, %dma_start3A_287] : memref<10000x128xf32, #tpu.memory_space<hbm>> -> memref<10000x128xf32, #tpu.memory_space<hbm>>
      tpu.enqueue_indirect_dma source(%dma_start3A_288 : memref<10000x128xf32, #tpu.memory_space<hbm>>) target(%arg10 : memref<128x128xf32, #tpu.memory_space<vmem>>) offsets(%dma_start3A_285 : memref<128xi32, #tpu.memory_space<vmem>>) semaphore(%arg17 : memref<!tpu.dma_semaphore, #tpu.memory_space<semaphore_mem>>)
      %dma_start3A_289 = arith.constant 896 : i32
      %dma_start3A_290 = tpu.memref_slice %arg9[%dma_start3A_289] : memref<1280xi32, #tpu.memory_space<vmem>> -> memref<128xi32, #tpu.memory_space<vmem>>
      %dma_start3A_291 = arith.constant 0 : i32
      %dma_start3A_292 = arith.constant 0 : i32
      %dma_start3A_293 = tpu.memref_slice %arg15[%dma_start3A_291, %dma_start3A_292] : memref<10240x128xf32, #tpu.memory_space<vmem_shared>> -> memref<10240x128xf32, #tpu.memory_space<vmem_shared>>
      tpu.enqueue_indirect_dma source(%arg11 : memref<128x128xf32, #tpu.memory_space<vmem>>) target(%dma_start3A_293 : memref<10240x128xf32, #tpu.memory_space<vmem_shared>>) offsets(%dma_start3A_290 : memref<128xi32, #tpu.memory_space<vmem>>) semaphore(%arg20 : memref<!tpu.dma_semaphore, #tpu.memory_space<semaphore_mem>>) {add = true}
      %dma_start3A_294 = arith.constant 896 : i32
      %dma_start3A_295 = tpu.memref_slice %arg9[%dma_start3A_294] : memref<1280xi32, #tpu.memory_space<vmem>> -> memref<128xi32, #tpu.memory_space<vmem>>
      %dma_start3A_296 = arith.constant 0 : i32
      %dma_start3A_297 = arith.constant 0 : i32
      %dma_start3A_298 = tpu.memref_slice %arg16[%dma_start3A_296, %dma_start3A_297] : memref<10240x16xf32, #tpu.memory_space<vmem_shared>> -> memref<10240x16xf32, #tpu.memory_space<vmem_shared>>
      tpu.enqueue_indirect_dma source(%arg12 : memref<128x16xf32, #tpu.memory_space<vmem>>) target(%dma_start3A_298 : memref<10240x16xf32, #tpu.memory_space<vmem_shared>>) offsets(%dma_start3A_295 : memref<128xi32, #tpu.memory_space<vmem>>) semaphore(%arg22 : memref<!tpu.dma_semaphore, #tpu.memory_space<semaphore_mem>>) {add = true}
      %dma_wait3A_299 = arith.constant 1024 : i32
      %dma_wait3A_300 = tpu.memref_slice %arg8[%dma_wait3A_299] : memref<1280xi32, #tpu.memory_space<vmem>> -> memref<128xi32, #tpu.memory_space<vmem>>
      %dma_wait3A_301 = arith.constant 0 : i32
      %dma_wait3A_302 = arith.constant 0 : i32
      %dma_wait3A_303 = tpu.memref_slice %arg2[%dma_wait3A_301, %dma_wait3A_302] : memref<10000x128xf32, #tpu.memory_space<hbm>> -> memref<10000x128xf32, #tpu.memory_space<hbm>>
      tpu.wait_indirect_dma semaphore(%arg17 : memref<!tpu.dma_semaphore, #tpu.memory_space<semaphore_mem>>) src(%dma_wait3A_303 : memref<10000x128xf32, #tpu.memory_space<hbm>>) dst(%arg10 : memref<128x128xf32, #tpu.memory_space<vmem>>)
      %dma_wait3A_304 = arith.constant 896 : i32
      %dma_wait3A_305 = tpu.memref_slice %arg9[%dma_wait3A_304] : memref<1280xi32, #tpu.memory_space<vmem>> -> memref<128xi32, #tpu.memory_space<vmem>>
      %dma_wait3A_306 = arith.constant 0 : i32
      %dma_wait3A_307 = arith.constant 0 : i32
      %dma_wait3A_308 = tpu.memref_slice %arg15[%dma_wait3A_306, %dma_wait3A_307] : memref<10240x128xf32, #tpu.memory_space<vmem_shared>> -> memref<10240x128xf32, #tpu.memory_space<vmem_shared>>
      tpu.wait_indirect_dma semaphore(%arg20 : memref<!tpu.dma_semaphore, #tpu.memory_space<semaphore_mem>>) src(%arg11 : memref<128x128xf32, #tpu.memory_space<vmem>>) dst(%dma_wait3A_308 : memref<10240x128xf32, #tpu.memory_space<vmem_shared>>)
      %dma_wait3A_309 = arith.constant 896 : i32
      %dma_wait3A_310 = tpu.memref_slice %arg9[%dma_wait3A_309] : memref<1280xi32, #tpu.memory_space<vmem>> -> memref<128xi32, #tpu.memory_space<vmem>>
      %dma_wait3A_311 = arith.constant 0 : i32
      %dma_wait3A_312 = arith.constant 0 : i32
      %dma_wait3A_313 = tpu.memref_slice %arg16[%dma_wait3A_311, %dma_wait3A_312] : memref<10240x16xf32, #tpu.memory_space<vmem_shared>> -> memref<10240x16xf32, #tpu.memory_space<vmem_shared>>
      tpu.wait_indirect_dma semaphore(%arg22 : memref<!tpu.dma_semaphore, #tpu.memory_space<semaphore_mem>>) src(%arg12 : memref<128x16xf32, #tpu.memory_space<vmem>>) dst(%dma_wait3A_313 : memref<10240x16xf32, #tpu.memory_space<vmem_shared>>)
      %dma_start3A_314 = arith.constant 1152 : i32
      %dma_start3A_315 = tpu.memref_slice %arg8[%dma_start3A_314] : memref<1280xi32, #tpu.memory_space<vmem>> -> memref<128xi32, #tpu.memory_space<vmem>>
      %dma_start3A_316 = arith.constant 0 : i32
      %dma_start3A_317 = arith.constant 0 : i32
      %dma_start3A_318 = tpu.memref_slice %arg2[%dma_start3A_316, %dma_start3A_317] : memref<10000x128xf32, #tpu.memory_space<hbm>> -> memref<10000x128xf32, #tpu.memory_space<hbm>>
      tpu.enqueue_indirect_dma source(%dma_start3A_318 : memref<10000x128xf32, #tpu.memory_space<hbm>>) target(%arg11 : memref<128x128xf32, #tpu.memory_space<vmem>>) offsets(%dma_start3A_315 : memref<128xi32, #tpu.memory_space<vmem>>) semaphore(%arg18 : memref<!tpu.dma_semaphore, #tpu.memory_space<semaphore_mem>>)
      %dma_start3A_319 = arith.constant 1024 : i32
      %dma_start3A_320 = tpu.memref_slice %arg9[%dma_start3A_319] : memref<1280xi32, #tpu.memory_space<vmem>> -> memref<128xi32, #tpu.memory_space<vmem>>
      %dma_start3A_321 = arith.constant 0 : i32
      %dma_start3A_322 = arith.constant 0 : i32
      %dma_start3A_323 = tpu.memref_slice %arg15[%dma_start3A_321, %dma_start3A_322] : memref<10240x128xf32, #tpu.memory_space<vmem_shared>> -> memref<10240x128xf32, #tpu.memory_space<vmem_shared>>
      tpu.enqueue_indirect_dma source(%arg10 : memref<128x128xf32, #tpu.memory_space<vmem>>) target(%dma_start3A_323 : memref<10240x128xf32, #tpu.memory_space<vmem_shared>>) offsets(%dma_start3A_320 : memref<128xi32, #tpu.memory_space<vmem>>) semaphore(%arg19 : memref<!tpu.dma_semaphore, #tpu.memory_space<semaphore_mem>>) {add = true}
      %dma_start3A_324 = arith.constant 1024 : i32
      %dma_start3A_325 = tpu.memref_slice %arg9[%dma_start3A_324] : memref<1280xi32, #tpu.memory_space<vmem>> -> memref<128xi32, #tpu.memory_space<vmem>>
      %dma_start3A_326 = arith.constant 0 : i32
      %dma_start3A_327 = arith.constant 0 : i32
      %dma_start3A_328 = tpu.memref_slice %arg16[%dma_start3A_326, %dma_start3A_327] : memref<10240x16xf32, #tpu.memory_space<vmem_shared>> -> memref<10240x16xf32, #tpu.memory_space<vmem_shared>>
      tpu.enqueue_indirect_dma source(%arg12 : memref<128x16xf32, #tpu.memory_space<vmem>>) target(%dma_start3A_328 : memref<10240x16xf32, #tpu.memory_space<vmem_shared>>) offsets(%dma_start3A_325 : memref<128xi32, #tpu.memory_space<vmem>>) semaphore(%arg21 : memref<!tpu.dma_semaphore, #tpu.memory_space<semaphore_mem>>) {add = true}
      %dma_wait3A_329 = arith.constant 1152 : i32
      %dma_wait3A_330 = tpu.memref_slice %arg8[%dma_wait3A_329] : memref<1280xi32, #tpu.memory_space<vmem>> -> memref<128xi32, #tpu.memory_space<vmem>>
      %dma_wait3A_331 = arith.constant 0 : i32
      %dma_wait3A_332 = arith.constant 0 : i32
      %dma_wait3A_333 = tpu.memref_slice %arg2[%dma_wait3A_331, %dma_wait3A_332] : memref<10000x128xf32, #tpu.memory_space<hbm>> -> memref<10000x128xf32, #tpu.memory_space<hbm>>
      tpu.wait_indirect_dma semaphore(%arg18 : memref<!tpu.dma_semaphore, #tpu.memory_space<semaphore_mem>>) src(%dma_wait3A_333 : memref<10000x128xf32, #tpu.memory_space<hbm>>) dst(%arg11 : memref<128x128xf32, #tpu.memory_space<vmem>>)
      %dma_wait3A_334 = arith.constant 1024 : i32
      %dma_wait3A_335 = tpu.memref_slice %arg9[%dma_wait3A_334] : memref<1280xi32, #tpu.memory_space<vmem>> -> memref<128xi32, #tpu.memory_space<vmem>>
      %dma_wait3A_336 = arith.constant 0 : i32
      %dma_wait3A_337 = arith.constant 0 : i32
      %dma_wait3A_338 = tpu.memref_slice %arg15[%dma_wait3A_336, %dma_wait3A_337] : memref<10240x128xf32, #tpu.memory_space<vmem_shared>> -> memref<10240x128xf32, #tpu.memory_space<vmem_shared>>
      tpu.wait_indirect_dma semaphore(%arg19 : memref<!tpu.dma_semaphore, #tpu.memory_space<semaphore_mem>>) src(%arg10 : memref<128x128xf32, #tpu.memory_space<vmem>>) dst(%dma_wait3A_338 : memref<10240x128xf32, #tpu.memory_space<vmem_shared>>)
      %dma_wait3A_339 = arith.constant 1024 : i32
      %dma_wait3A_340 = tpu.memref_slice %arg9[%dma_wait3A_339] : memref<1280xi32, #tpu.memory_space<vmem>> -> memref<128xi32, #tpu.memory_space<vmem>>
      %dma_wait3A_341 = arith.constant 0 : i32
      %dma_wait3A_342 = arith.constant 0 : i32
      %dma_wait3A_343 = tpu.memref_slice %arg16[%dma_wait3A_341, %dma_wait3A_342] : memref<10240x16xf32, #tpu.memory_space<vmem_shared>> -> memref<10240x16xf32, #tpu.memory_space<vmem_shared>>
      tpu.wait_indirect_dma semaphore(%arg21 : memref<!tpu.dma_semaphore, #tpu.memory_space<semaphore_mem>>) src(%arg12 : memref<128x16xf32, #tpu.memory_space<vmem>>) dst(%dma_wait3A_343 : memref<10240x16xf32, #tpu.memory_space<vmem_shared>>)
      %dma_start3A_344 = arith.constant 1152 : i32
      %dma_start3A_345 = tpu.memref_slice %arg9[%dma_start3A_344] : memref<1280xi32, #tpu.memory_space<vmem>> -> memref<128xi32, #tpu.memory_space<vmem>>
      %dma_start3A_346 = arith.constant 0 : i32
      %dma_start3A_347 = arith.constant 0 : i32
      %dma_start3A_348 = tpu.memref_slice %arg15[%dma_start3A_346, %dma_start3A_347] : memref<10240x128xf32, #tpu.memory_space<vmem_shared>> -> memref<10240x128xf32, #tpu.memory_space<vmem_shared>>
      tpu.enqueue_indirect_dma source(%arg11 : memref<128x128xf32, #tpu.memory_space<vmem>>) target(%dma_start3A_348 : memref<10240x128xf32, #tpu.memory_space<vmem_shared>>) offsets(%dma_start3A_345 : memref<128xi32, #tpu.memory_space<vmem>>) semaphore(%arg20 : memref<!tpu.dma_semaphore, #tpu.memory_space<semaphore_mem>>) {add = true}
      %dma_start3A_349 = arith.constant 1152 : i32
      %dma_start3A_350 = tpu.memref_slice %arg9[%dma_start3A_349] : memref<1280xi32, #tpu.memory_space<vmem>> -> memref<128xi32, #tpu.memory_space<vmem>>
      %dma_start3A_351 = arith.constant 0 : i32
      %dma_start3A_352 = arith.constant 0 : i32
      %dma_start3A_353 = tpu.memref_slice %arg16[%dma_start3A_351, %dma_start3A_352] : memref<10240x16xf32, #tpu.memory_space<vmem_shared>> -> memref<10240x16xf32, #tpu.memory_space<vmem_shared>>
      tpu.enqueue_indirect_dma source(%arg12 : memref<128x16xf32, #tpu.memory_space<vmem>>) target(%dma_start3A_353 : memref<10240x16xf32, #tpu.memory_space<vmem_shared>>) offsets(%dma_start3A_350 : memref<128xi32, #tpu.memory_space<vmem>>) semaphore(%arg22 : memref<!tpu.dma_semaphore, #tpu.memory_space<semaphore_mem>>) {add = true}
      %dma_wait3A_354 = arith.constant 1152 : i32
      %dma_wait3A_355 = tpu.memref_slice %arg9[%dma_wait3A_354] : memref<1280xi32, #tpu.memory_space<vmem>> -> memref<128xi32, #tpu.memory_space<vmem>>
      %dma_wait3A_356 = arith.constant 0 : i32
      %dma_wait3A_357 = arith.constant 0 : i32
      %dma_wait3A_358 = tpu.memref_slice %arg15[%dma_wait3A_356, %dma_wait3A_357] : memref<10240x128xf32, #tpu.memory_space<vmem_shared>> -> memref<10240x128xf32, #tpu.memory_space<vmem_shared>>
      tpu.wait_indirect_dma semaphore(%arg20 : memref<!tpu.dma_semaphore, #tpu.memory_space<semaphore_mem>>) src(%arg11 : memref<128x128xf32, #tpu.memory_space<vmem>>) dst(%dma_wait3A_358 : memref<10240x128xf32, #tpu.memory_space<vmem_shared>>)
      %dma_wait3A_359 = arith.constant 1152 : i32
      %dma_wait3A_360 = tpu.memref_slice %arg9[%dma_wait3A_359] : memref<1280xi32, #tpu.memory_space<vmem>> -> memref<128xi32, #tpu.memory_space<vmem>>
      %dma_wait3A_361 = arith.constant 0 : i32
      %dma_wait3A_362 = arith.constant 0 : i32
      %dma_wait3A_363 = tpu.memref_slice %arg16[%dma_wait3A_361, %dma_wait3A_362] : memref<10240x16xf32, #tpu.memory_space<vmem_shared>> -> memref<10240x16xf32, #tpu.memory_space<vmem_shared>>
      tpu.wait_indirect_dma semaphore(%arg22 : memref<!tpu.dma_semaphore, #tpu.memory_space<semaphore_mem>>) src(%arg12 : memref<128x16xf32, #tpu.memory_space<vmem>>) dst(%dma_wait3A_363 : memref<10240x16xf32, #tpu.memory_space<vmem_shared>>)
      %while3A_364 = arith.constant 0 : i32
      scf.yield %while3A_364 : i32
    }
    %barrier3A_48 = arith.constant 0 : index
    tpu.barrier barrier_id(%barrier3A_48)
    %eq3A = arith.constant 0 : i32
    %eq3A_49 = arith.cmpi eq, %arg0, %eq3A : i32
    %convert_element_type3A = arith.extui %eq3A_49 : i1 to i32
    %cond3A = arith.constant 0 : i32
    %cond3A_50 = arith.cmpi ne, %convert_element_type3A, %cond3A : i32
    scf.if %cond3A_50 {
      %mul3A_56 = arith.constant 640 : i32
      %mul3A_57 = arith.muli %arg1, %mul3A_56 : i32
      %mul3A_58 = arith.constant 640 : i32
      %mul3A_59 = arith.muli %arg1, %mul3A_58 : i32
      "tpu.region"() ({
        %run_scoped3A = tpu.sem_alloc : memref<!tpu.dma_semaphore, #tpu.memory_space<semaphore_mem>>
        %dma_start3A = arith.constant 0 : i32
        %dma_start3A_64 = tpu.memref_slice %arg4[%mul3A_59, %dma_start3A] : memref<10240x128xf32, #tpu.memory_space<hbm>> -> memref<640x128xf32, #tpu.memory_space<hbm>>
        %dma_start3A_65 = arith.constant 0 : i32
        %dma_start3A_66 = tpu.memref_slice %arg15[%mul3A_57, %dma_start3A_65] : memref<10240x128xf32, #tpu.memory_space<vmem_shared>> -> memref<640x128xf32, #tpu.memory_space<vmem_shared>>
        tpu.enqueue_dma source(%dma_start3A_66 : memref<640x128xf32, #tpu.memory_space<vmem_shared>>) target(%dma_start3A_64 : memref<640x128xf32, #tpu.memory_space<hbm>>) target_semaphore(%run_scoped3A : memref<!tpu.dma_semaphore, #tpu.memory_space<semaphore_mem>>)
        %dma_wait3A = arith.constant 0 : i32
        %dma_wait3A_67 = tpu.memref_slice %arg4[%mul3A_59, %dma_wait3A] : memref<10240x128xf32, #tpu.memory_space<hbm>> -> memref<640x128xf32, #tpu.memory_space<hbm>>
        %dma_wait3A_68 = arith.constant 0 : i32
        %dma_wait3A_69 = tpu.memref_slice %arg15[%mul3A_57, %dma_wait3A_68] : memref<10240x128xf32, #tpu.memory_space<vmem_shared>> -> memref<640x128xf32, #tpu.memory_space<vmem_shared>>
        tpu.wait_dma2 semaphore(%run_scoped3A : memref<!tpu.dma_semaphore, #tpu.memory_space<semaphore_mem>>) src(%dma_wait3A_69 : memref<640x128xf32, #tpu.memory_space<vmem_shared>>) dst(%dma_wait3A_67 : memref<640x128xf32, #tpu.memory_space<hbm>>)
        tpu.yield
      }) : () -> ()
      %mul3A_60 = arith.constant 640 : i32
      %mul3A_61 = arith.muli %arg1, %mul3A_60 : i32
      %mul3A_62 = arith.constant 640 : i32
      %mul3A_63 = arith.muli %arg1, %mul3A_62 : i32
      "tpu.region"() ({
        %run_scoped3A = tpu.sem_alloc : memref<!tpu.dma_semaphore, #tpu.memory_space<semaphore_mem>>
        %dma_start3A = arith.constant 0 : i32
        %dma_start3A_64 = tpu.memref_slice %arg6[%mul3A_63, %dma_start3A] : memref<10240x16xf32, #tpu.memory_space<hbm>> -> memref<640x16xf32, #tpu.memory_space<hbm>>
        %dma_start3A_65 = arith.constant 0 : i32
        %dma_start3A_66 = tpu.memref_slice %arg16[%mul3A_61, %dma_start3A_65] : memref<10240x16xf32, #tpu.memory_space<vmem_shared>> -> memref<640x16xf32, #tpu.memory_space<vmem_shared>>
        tpu.enqueue_dma source(%dma_start3A_66 : memref<640x16xf32, #tpu.memory_space<vmem_shared>>) target(%dma_start3A_64 : memref<640x16xf32, #tpu.memory_space<hbm>>) target_semaphore(%run_scoped3A : memref<!tpu.dma_semaphore, #tpu.memory_space<semaphore_mem>>)
        %dma_wait3A = arith.constant 0 : i32
        %dma_wait3A_67 = tpu.memref_slice %arg6[%mul3A_63, %dma_wait3A] : memref<10240x16xf32, #tpu.memory_space<hbm>> -> memref<640x16xf32, #tpu.memory_space<hbm>>
        %dma_wait3A_68 = arith.constant 0 : i32
        %dma_wait3A_69 = tpu.memref_slice %arg16[%mul3A_61, %dma_wait3A_68] : memref<10240x16xf32, #tpu.memory_space<vmem_shared>> -> memref<640x16xf32, #tpu.memory_space<vmem_shared>>
        tpu.wait_dma2 semaphore(%run_scoped3A : memref<!tpu.dma_semaphore, #tpu.memory_space<semaphore_mem>>) src(%dma_wait3A_69 : memref<640x16xf32, #tpu.memory_space<vmem_shared>>) dst(%dma_wait3A_67 : memref<640x16xf32, #tpu.memory_space<hbm>>)
        tpu.yield
      }) : () -> ()
    } else {
    }
    %eq3A_51 = arith.constant 1 : i32
    %eq3A_52 = arith.cmpi eq, %arg0, %eq3A_51 : i32
    %convert_element_type3A_53 = arith.extui %eq3A_52 : i1 to i32
    %cond3A_54 = arith.constant 0 : i32
    %cond3A_55 = arith.cmpi ne, %convert_element_type3A_53, %cond3A_54 : i32
    scf.if %cond3A_55 {
      %mul3A_56 = arith.constant 640 : i32
      %mul3A_57 = arith.muli %arg1, %mul3A_56 : i32
      %mul3A_58 = arith.constant 640 : i32
      %mul3A_59 = arith.muli %arg1, %mul3A_58 : i32
      "tpu.region"() ({
        %run_scoped3A = tpu.sem_alloc : memref<!tpu.dma_semaphore, #tpu.memory_space<semaphore_mem>>
        %dma_start3A = arith.constant 0 : i32
        %dma_start3A_64 = tpu.memref_slice %arg5[%mul3A_59, %dma_start3A] : memref<10240x128xf32, #tpu.memory_space<hbm>> -> memref<640x128xf32, #tpu.memory_space<hbm>>
        %dma_start3A_65 = arith.constant 0 : i32
        %dma_start3A_66 = tpu.memref_slice %arg15[%mul3A_57, %dma_start3A_65] : memref<10240x128xf32, #tpu.memory_space<vmem_shared>> -> memref<640x128xf32, #tpu.memory_space<vmem_shared>>
        tpu.enqueue_dma source(%dma_start3A_66 : memref<640x128xf32, #tpu.memory_space<vmem_shared>>) target(%dma_start3A_64 : memref<640x128xf32, #tpu.memory_space<hbm>>) target_semaphore(%run_scoped3A : memref<!tpu.dma_semaphore, #tpu.memory_space<semaphore_mem>>)
        %dma_wait3A = arith.constant 0 : i32
        %dma_wait3A_67 = tpu.memref_slice %arg5[%mul3A_59, %dma_wait3A] : memref<10240x128xf32, #tpu.memory_space<hbm>> -> memref<640x128xf32, #tpu.memory_space<hbm>>
        %dma_wait3A_68 = arith.constant 0 : i32
        %dma_wait3A_69 = tpu.memref_slice %arg15[%mul3A_57, %dma_wait3A_68] : memref<10240x128xf32, #tpu.memory_space<vmem_shared>> -> memref<640x128xf32, #tpu.memory_space<vmem_shared>>
        tpu.wait_dma2 semaphore(%run_scoped3A : memref<!tpu.dma_semaphore, #tpu.memory_space<semaphore_mem>>) src(%dma_wait3A_69 : memref<640x128xf32, #tpu.memory_space<vmem_shared>>) dst(%dma_wait3A_67 : memref<640x128xf32, #tpu.memory_space<hbm>>)
        tpu.yield
      }) : () -> ()
      %mul3A_60 = arith.constant 640 : i32
      %mul3A_61 = arith.muli %arg1, %mul3A_60 : i32
      %mul3A_62 = arith.constant 640 : i32
      %mul3A_63 = arith.muli %arg1, %mul3A_62 : i32
      "tpu.region"() ({
        %run_scoped3A = tpu.sem_alloc : memref<!tpu.dma_semaphore, #tpu.memory_space<semaphore_mem>>
        %dma_start3A = arith.constant 0 : i32
        %dma_start3A_64 = tpu.memref_slice %arg7[%mul3A_63, %dma_start3A] : memref<10240x16xf32, #tpu.memory_space<hbm>> -> memref<640x16xf32, #tpu.memory_space<hbm>>
        %dma_start3A_65 = arith.constant 0 : i32
        %dma_start3A_66 = tpu.memref_slice %arg16[%mul3A_61, %dma_start3A_65] : memref<10240x16xf32, #tpu.memory_space<vmem_shared>> -> memref<640x16xf32, #tpu.memory_space<vmem_shared>>
        tpu.enqueue_dma source(%dma_start3A_66 : memref<640x16xf32, #tpu.memory_space<vmem_shared>>) target(%dma_start3A_64 : memref<640x16xf32, #tpu.memory_space<hbm>>) target_semaphore(%run_scoped3A : memref<!tpu.dma_semaphore, #tpu.memory_space<semaphore_mem>>)
        %dma_wait3A = arith.constant 0 : i32
        %dma_wait3A_67 = tpu.memref_slice %arg7[%mul3A_63, %dma_wait3A] : memref<10240x16xf32, #tpu.memory_space<hbm>> -> memref<640x16xf32, #tpu.memory_space<hbm>>
        %dma_wait3A_68 = arith.constant 0 : i32
        %dma_wait3A_69 = tpu.memref_slice %arg16[%mul3A_61, %dma_wait3A_68] : memref<10240x16xf32, #tpu.memory_space<vmem_shared>> -> memref<640x16xf32, #tpu.memory_space<vmem_shared>>
        tpu.wait_dma2 semaphore(%run_scoped3A : memref<!tpu.dma_semaphore, #tpu.memory_space<semaphore_mem>>) src(%dma_wait3A_69 : memref<640x16xf32, #tpu.memory_space<vmem_shared>>) dst(%dma_wait3A_67 : memref<640x16xf32, #tpu.memory_space<hbm>>)
        tpu.yield
      }) : () -> ()
    } else {
    }
    return
  }
}

module attributes {stable_mosaic.version = 14 : i64} {
  func.func @_tc_a_body(%arg0: i32, %arg1: memref<1000x128xf32, #tpu.memory_space<vmem>>, %arg2: memref<128x256xf32, #tpu.memory_space<vmem>>, %arg3: memref<1x128xf32, #tpu.memory_space<vmem>>, %arg4: memref<128x128xf32, #tpu.memory_space<vmem>>, %arg5: memref<1x128xf32, #tpu.memory_space<vmem>>, %arg6: memref<1000x128xf32, #tpu.memory_space<vmem>>, %arg7: memref<128x128xf32, #tpu.memory_space<vmem>>) attributes {dimension_semantics = [#tpu.dimension_semantics<arbitrary>], iteration_bounds = array<i64: 10>, scalar_prefetch = 0 : i64, scratch_operands = 0 : i64, tpu.core_type = #tpu.core_type<tc>, window_params = [{transform_indices = @transform_0, window_bounds = array<i64: 1000, 128>}, {pipeline_mode = #tpu.pipeline_mode<synchronous>, transform_indices = @transform_1, window_bounds = array<i64: 128, 256>}, {pipeline_mode = #tpu.pipeline_mode<synchronous>, transform_indices = @transform_2, window_bounds = array<i64: 1, 128>}, {pipeline_mode = #tpu.pipeline_mode<synchronous>, transform_indices = @transform_3, window_bounds = array<i64: 128, 128>}, {pipeline_mode = #tpu.pipeline_mode<synchronous>, transform_indices = @transform_4, window_bounds = array<i64: 1, 128>}, {transform_indices = @transform_5, window_bounds = array<i64: 1000, 128>}, {pipeline_mode = #tpu.pipeline_mode<synchronous>, transform_indices = @transform_6, window_bounds = array<i64: 128, 128>}]} {
    %get3A = arith.constant 0 : index
    %get3A_0 = arith.constant 0 : index
    %get3A_1 = vector.load %arg2[%get3A, %get3A_0] : memref<128x256xf32, #tpu.memory_space<vmem>>, vector<128x128xf32>
    %get3A_2 = arith.constant 0 : index
    %get3A_3 = arith.constant 128 : index
    %get3A_4 = vector.load %arg2[%get3A_2, %get3A_3] : memref<128x256xf32, #tpu.memory_space<vmem>>, vector<128x128xf32>
    %get3A_5 = arith.constant 0 : index
    %get3A_6 = arith.constant 0 : index
    %get3A_7 = vector.load %arg4[%get3A_5, %get3A_6] : memref<128x128xf32, #tpu.memory_space<vmem>>, vector<128x128xf32>
    %transpose3A = tpu.transpose %get3A_7, [1, 0] : vector<128x128xf32> -> vector<128x128xf32>
    %get3A_8 = arith.constant 0 : index
    %get3A_9 = arith.constant 0 : index
    %get3A_10 = vector.load %arg1[%get3A_8, %get3A_9] : memref<1000x128xf32, #tpu.memory_space<vmem>>, vector<1000x128xf32>
    %transpose3A_11 = tpu.transpose %get3A_4, [1, 0] : vector<128x128xf32> -> vector<128x128xf32>
    %dot_general3A = arith.constant dense<0.000000e+00> : vector<1000x128xf32>
    %dot_general3A_12 = tpu.matmul %get3A_10, %transpose3A_11, %dot_general3A {dimension_numbers = #tpu.dot_dimension_numbers<[1], [0], [0], [1], [0, 0, 1, 1], [], []>, transpose_lhs_hint = false} : vector<1000x128xf32>, vector<128x128xf32>, vector<1000x128xf32> -> vector<1000x128xf32>
    %get3A_13 = arith.constant 0 : index
    %get3A_14 = arith.constant 0 : index
    %get3A_15 = vector.load %arg3[%get3A_13, %get3A_14] : memref<1x128xf32, #tpu.memory_space<vmem>>, vector<1x128xf32>
    %add3A = vector.broadcast %get3A_15 : vector<1x128xf32> to vector<1000x128xf32>
    %add3A_16 = arith.addf %dot_general3A_12, %add3A : vector<1000x128xf32>
    %dot_general3A_17 = arith.constant dense<0.000000e+00> : vector<1000x128xf32>
    %dot_general3A_18 = tpu.matmul %add3A_16, %transpose3A, %dot_general3A_17 {dimension_numbers = #tpu.dot_dimension_numbers<[1], [0], [0], [1], [0, 0, 1, 1], [], []>, transpose_lhs_hint = false} : vector<1000x128xf32>, vector<128x128xf32>, vector<1000x128xf32> -> vector<1000x128xf32>
    %get3A_19 = arith.constant 0 : index
    %get3A_20 = arith.constant 0 : index
    %get3A_21 = vector.load %arg5[%get3A_19, %get3A_20] : memref<1x128xf32, #tpu.memory_space<vmem>>, vector<1x128xf32>
    %add3A_22 = vector.broadcast %get3A_21 : vector<1x128xf32> to vector<1000x128xf32>
    %add3A_23 = arith.addf %dot_general3A_18, %add3A_22 : vector<1000x128xf32>
    %swap3A = arith.constant 0 : index
    %swap3A_24 = arith.constant 0 : index
    %swap3A_25 = vector.load %arg6[%swap3A, %swap3A_24] : memref<1000x128xf32, #tpu.memory_space<vmem>>, vector<1000x128xf32>
    tpu.vector_store %arg6[%swap3A, %swap3A_24], %add3A_23 {strides = array<i32>} : memref<1000x128xf32, #tpu.memory_space<vmem>>, vector<1000x128xf32>,
    %transpose3A_26 = tpu.transpose %get3A_1, [1, 0] : vector<128x128xf32> -> vector<128x128xf32>
    %dot_general3A_27 = arith.constant dense<0.000000e+00> : vector<128x128xf32>
    %dot_general3A_28 = tpu.matmul %transpose3A_26, %transpose3A, %dot_general3A_27 {dimension_numbers = #tpu.dot_dimension_numbers<[1], [0], [0], [1], [0, 0, 1, 1], [], []>, transpose_lhs_hint = false} : vector<128x128xf32>, vector<128x128xf32>, vector<128x128xf32> -> vector<128x128xf32>
    %swap3A_29 = arith.constant 0 : index
    %swap3A_30 = arith.constant 0 : index
    %swap3A_31 = vector.load %arg7[%swap3A_29, %swap3A_30] : memref<128x128xf32, #tpu.memory_space<vmem>>, vector<128x128xf32>
    tpu.vector_store %arg7[%swap3A_29, %swap3A_30], %dot_general3A_28 {strides = array<i32>} : memref<128x128xf32, #tpu.memory_space<vmem>>, vector<128x128xf32>,
    return
  }
  func.func @transform_0(%arg0: i32) -> (i32, i32) {
    %c0_i32 = arith.constant 0 : i32
    %c0_i32_0 = arith.constant 0 : i32
    return %arg0, %c0_i32 : i32, i32
  }
  func.func @transform_1(%arg0: i32) -> (i32, i32) {
    %c0_i32 = arith.constant 0 : i32
    %c0_i32_0 = arith.constant 0 : i32
    %c0_i32_1 = arith.constant 0 : i32
    return %c0_i32, %c0_i32_0 : i32, i32
  }
  func.func @transform_2(%arg0: i32) -> (i32, i32) {
    %c0_i32 = arith.constant 0 : i32
    %c0_i32_0 = arith.constant 0 : i32
    %c0_i32_1 = arith.constant 0 : i32
    return %c0_i32, %c0_i32_0 : i32, i32
  }
  func.func @transform_3(%arg0: i32) -> (i32, i32) {
    %c0_i32 = arith.constant 0 : i32
    %c0_i32_0 = arith.constant 0 : i32
    %c0_i32_1 = arith.constant 0 : i32
    return %c0_i32, %c0_i32_0 : i32, i32
  }
  func.func @transform_4(%arg0: i32) -> (i32, i32) {
    %c0_i32 = arith.constant 0 : i32
    %c0_i32_0 = arith.constant 0 : i32
    %c0_i32_1 = arith.constant 0 : i32
    return %c0_i32, %c0_i32_0 : i32, i32
  }
  func.func @transform_5(%arg0: i32) -> (i32, i32) {
    %c0_i32 = arith.constant 0 : i32
    %c0_i32_0 = arith.constant 0 : i32
    return %arg0, %c0_i32 : i32, i32
  }
  func.func @transform_6(%arg0: i32) -> (i32, i32) {
    %c0_i32 = arith.constant 0 : i32
    %c0_i32_0 = arith.constant 0 : i32
    %c0_i32_1 = arith.constant 0 : i32
    return %c0_i32, %c0_i32_0 : i32, i32
  }
}

module attributes {stable_mosaic.version = 14 : i64} {
  func.func @_tc_b_body(%arg0: i32, %arg1: memref<1000x128xf32, #tpu.memory_space<vmem>>, %arg2: memref<1000x128xf32, #tpu.memory_space<vmem>>, %arg3: memref<1000x128xf32, #tpu.memory_space<vmem>>, %arg4: memref<1000x16xf32, #tpu.memory_space<vmem>>, %arg5: memref<1000x16xf32, #tpu.memory_space<vmem>>, %arg6: memref<1000x128xf32, #tpu.memory_space<vmem>>, %arg7: memref<128x128xf32, #tpu.memory_space<vmem>>, %arg8: memref<1000x128xf32, #tpu.memory_space<vmem>>) attributes {dimension_semantics = [#tpu.dimension_semantics<arbitrary>], iteration_bounds = array<i64: 10>, scalar_prefetch = 0 : i64, scratch_operands = 0 : i64, tpu.core_type = #tpu.core_type<tc>, window_params = [{transform_indices = @transform_0, window_bounds = array<i64: 1000, 128>}, {transform_indices = @transform_1, window_bounds = array<i64: 1000, 128>}, {transform_indices = @transform_2, window_bounds = array<i64: 1000, 128>}, {transform_indices = @transform_3, window_bounds = array<i64: 1000, 16>}, {transform_indices = @transform_4, window_bounds = array<i64: 1000, 16>}, {transform_indices = @transform_5, window_bounds = array<i64: 1000, 128>}, {pipeline_mode = #tpu.pipeline_mode<synchronous>, transform_indices = @transform_6, window_bounds = array<i64: 128, 128>}, {transform_indices = @transform_7, window_bounds = array<i64: 1000, 128>}]} {
    %get3A = arith.constant 0 : index
    %get3A_0 = arith.constant 0 : index
    %get3A_1 = vector.load %arg4[%get3A, %get3A_0] : memref<1000x16xf32, #tpu.memory_space<vmem>>, vector<1000x1xf32>
    %get3A_2 = arith.constant 0 : index
    %get3A_3 = arith.constant 0 : index
    %get3A_4 = vector.load %arg5[%get3A_2, %get3A_3] : memref<1000x16xf32, #tpu.memory_space<vmem>>, vector<1000x1xf32>
    %add3A = arith.addf %get3A_1, %get3A_4 : vector<1000x1xf32>
    %max3A = arith.constant 1.000000e+00 : f32
    %max3A_5 = vector.broadcast %max3A : f32 to vector<1000x1xf32>
    %max3A_6 = arith.maximumf %add3A, %max3A_5 : vector<1000x1xf32>
    %div3A = arith.constant 1.000000e+00 : f32
    %div3A_7 = vector.broadcast %div3A : f32 to vector<1000x1xf32>
    %div3A_8 = arith.divf %div3A_7, %max3A_6 : vector<1000x1xf32>
    %get3A_9 = arith.constant 0 : index
    %get3A_10 = arith.constant 0 : index
    %get3A_11 = vector.load %arg2[%get3A_9, %get3A_10] : memref<1000x128xf32, #tpu.memory_space<vmem>>, vector<1000x128xf32>
    %get3A_12 = arith.constant 0 : index
    %get3A_13 = arith.constant 0 : index
    %get3A_14 = vector.load %arg3[%get3A_12, %get3A_13] : memref<1000x128xf32, #tpu.memory_space<vmem>>, vector<1000x128xf32>
    %add3A_15 = arith.addf %get3A_11, %get3A_14 : vector<1000x128xf32>
    %mul3A = vector.broadcast %div3A_8 : vector<1000x1xf32> to vector<1000x128xf32>
    %mul3A_16 = arith.mulf %add3A_15, %mul3A : vector<1000x128xf32>
    %get3A_17 = arith.constant 0 : index
    %get3A_18 = arith.constant 0 : index
    %get3A_19 = vector.load %arg7[%get3A_17, %get3A_18] : memref<128x128xf32, #tpu.memory_space<vmem>>, vector<128x128xf32>
    %dot_general3A = arith.constant dense<0.000000e+00> : vector<1000x128xf32>
    %dot_general3A_20 = tpu.matmul %mul3A_16, %get3A_19, %dot_general3A {dimension_numbers = #tpu.dot_dimension_numbers<[1], [0], [0], [1], [0, 0, 1, 1], [], []>, transpose_lhs_hint = false} : vector<1000x128xf32>, vector<128x128xf32>, vector<1000x128xf32> -> vector<1000x128xf32>
    %get3A_21 = arith.constant 0 : index
    %get3A_22 = arith.constant 0 : index
    %get3A_23 = vector.load %arg6[%get3A_21, %get3A_22] : memref<1000x128xf32, #tpu.memory_space<vmem>>, vector<1000x128xf32>
    %add3A_24 = arith.addf %dot_general3A_20, %get3A_23 : vector<1000x128xf32>
    %gt3A = arith.constant 0.000000e+00 : f32
    %gt3A_25 = vector.broadcast %gt3A : f32 to vector<1000x1xf32>
    %gt3A_26 = arith.cmpf ogt, %add3A, %gt3A_25 : vector<1000x1xf32>
    %get3A_27 = arith.constant 0 : index
    %get3A_28 = arith.constant 0 : index
    %get3A_29 = vector.load %arg1[%get3A_27, %get3A_28] : memref<1000x128xf32, #tpu.memory_space<vmem>>, vector<1000x128xf32>
    %broadcast_in_dim3A = vector.shape_cast %gt3A_26 : vector<1000x1xi1> to vector<1000x1xi1>
    %broadcast_in_dim3A_30 = vector.broadcast %broadcast_in_dim3A : vector<1000x1xi1> to vector<1000x128xi1>
    %select_n3A = arith.select %broadcast_in_dim3A_30, %add3A_24, %get3A_29 : vector<1000x128xi1>, vector<1000x128xf32>
    %swap3A = arith.constant 0 : index
    %swap3A_31 = arith.constant 0 : index
    %swap3A_32 = vector.load %arg8[%swap3A, %swap3A_31] : memref<1000x128xf32, #tpu.memory_space<vmem>>, vector<1000x128xf32>
    tpu.vector_store %arg8[%swap3A, %swap3A_31], %select_n3A {strides = array<i32>} : memref<1000x128xf32, #tpu.memory_space<vmem>>, vector<1000x128xf32>,
    return
  }
  func.func @transform_0(%arg0: i32) -> (i32, i32) {
    %c0_i32 = arith.constant 0 : i32
    %c0_i32_0 = arith.constant 0 : i32
    return %arg0, %c0_i32 : i32, i32
  }
  func.func @transform_1(%arg0: i32) -> (i32, i32) {
    %c0_i32 = arith.constant 0 : i32
    %c0_i32_0 = arith.constant 0 : i32
    return %arg0, %c0_i32 : i32, i32
  }
  func.func @transform_2(%arg0: i32) -> (i32, i32) {
    %c0_i32 = arith.constant 0 : i32
    %c0_i32_0 = arith.constant 0 : i32
    return %arg0, %c0_i32 : i32, i32
  }
  func.func @transform_3(%arg0: i32) -> (i32, i32) {
    %c0_i32 = arith.constant 0 : i32
    %c0_i32_0 = arith.constant 0 : i32
    return %arg0, %c0_i32 : i32, i32
  }
  func.func @transform_4(%arg0: i32) -> (i32, i32) {
    %c0_i32 = arith.constant 0 : i32
    %c0_i32_0 = arith.constant 0 : i32
    return %arg0, %c0_i32 : i32, i32
  }
  func.func @transform_5(%arg0: i32) -> (i32, i32) {
    %c0_i32 = arith.constant 0 : i32
    %c0_i32_0 = arith.constant 0 : i32
    return %arg0, %c0_i32 : i32, i32
  }
  func.func @transform_6(%arg0: i32) -> (i32, i32) {
    %c0_i32 = arith.constant 0 : i32
    %c0_i32_0 = arith.constant 0 : i32
    %c0_i32_1 = arith.constant 0 : i32
    return %c0_i32, %c0_i32_0 : i32, i32
  }
  func.func @transform_7(%arg0: i32) -> (i32, i32) {
    %c0_i32 = arith.constant 0 : i32
    %c0_i32_0 = arith.constant 0 : i32
    return %arg0, %c0_i32 : i32, i32
  }
}

</mosaic_0001>

<sc_bundles>
// kernel: kernel.5.cloned.1.call-start
scs
__scs_entry_jumppad:
0x0: {  	(pc) =	sbr.rel $0x88, $3  }
0x1: {  	(tag) =	ssettag $0x0;
	lr =	simm.s32 $0x1  }
0x2: {  	[smem:$0x3F9B] =	sst lr;
	_ =	strace $0xD0000000  }
0x3: {  	_ = 	snop  }
0x4: {  	_ = 	snop  }
0x5: {  	_ = 	snop  }
0x6: {  	_ = 	snop  }
0x7: {  	_ = 	snop  }
__scs_overlays_trampoline_lowered:
0x8: {  	[smem:$0x3FAA] =	sst s0  }
0x9: {  	[smem:$0x3FAB] =	sst s1  }
0xa: {  	[smem:$0x3FAC] =	sst s2  }
0xb: {  	[smem:$0x3FAD] =	sst s3  }
0xc: {  	[smem:$0x3FAE] =	sst s4  }
0xd: {  	[smem:$0x3FAF] =	sst s5  }
0xe: {  	[smem:$0x3FB0] =	sst s6  }
0xf: {  	[smem:$0x3FB1] =	sst s7  }
0x10: {  	[smem:$0x3FB2] =	sst s8  }
0x11: {  	[smem:$0x3FB3] =	sst s9;
	s0 =	simm.s32 @!p0 $0x0  }
0x12: {  	s1 =	sld [smem:$0x3F99];
	s0 =	simm.s32 @p0 $0x1  }
0x13: {  	[smem:$0x3FB4] =	sst s0;
	s0 =	simm.s32 @!p1 $0x0  }
0x14: {  	s2 =	sld [smem:$0x3F98];
	s0 =	simm.s32 @p1 $0x1  }
0x15: {  	[smem:$0x3FB5] =	sst s0;
	s0 =	simm.s32 @!p2 $0x0  }
0x16: {  	s3 =	sld [smem:$0x3FDB];
	s0 =	simm.s32 @p2 $0x1  }
0x17: {  	s4 =	simm.s32 $0x1BF5;
	[smem:$0x3FB7] =	sst s0  }
0x18: {  	s0 =	sld [smem:$0x3F9A];
	_ =	swait.ge [sflag:s4], $0x0  }
0x19: {  	s7 =	sld [smem:$0x3F9B]  }
0x1a: {  	s8 =	sadd.s32 $0xFFFFE003, lr  }
0x1b: {  	s9 =	sadd.s32 $0xFFFFFEF7, lr;
	s5 =	simm.s32 $0xFFFFFFFF;
	p2 =	slt.u32 s8, $0xFFFFF086  }
0x1c: {  	p1 =	slt.u32 s9, $0xF7A;
	s5 =	simm.s32 @!p2 $0x0  }
0x1d: {  	s5 =	simm.s32 @p1 $0x1;
	p0 =	seq.s32 s7, s2  }
0x1e: {  	s7 =	smul.u32 @!p0 $0xF7A, s2;
	p2 =	seq.s32 @!p0 s5, $0x0  }
0x1f: {  	s9 =	smul.u32 $0xF7A, s1;
	s8 =	simm.s32 @!p0 $0x1BF5;
	p2 =	por !p2, p0  }
0x20: {  	[sflag:s8] =	ssyncset.s32 @!p0 $0xFFFFF086;
	s6 =	sadd.s32 @!p0 s3, s7;
	s7 =	simm.s32 @!p0 $0x108  }
0x21: {  	s3 =	sadd.s32 s3, s9;
	s6 =	sadd.s32 @!p0 $0x88, s6;
	s7 =	simm.s32 @p2 $0x1082  }
0x22: {  	[simem:s7], [sflag:s8] =	dma.local @!p0 [hbm:s6], $0xF7A  }
0x23: {  	s9 =	sor.u32 $0xD0000000, s2;
	s6 =	simm.s32 $0x108;
	_ =	swait.ge @!p0 [sflag:s8], $0x0  }
0x24: {  	s3 =	sadd.s32 $0x88, s3;
	s6 =	simm.s32 @!p1 $0x1082;
	[sflag:s4] =	ssyncset.s32 $0xFFFFF086  }
0x25: {  	[simem:s6], [sflag:s4] =	dma.local [hbm:s3], $0xF7A  }
0x26: {  	[smem:$0x3F9B] =	sst s1;
	(tag) =	ssettag s2;
	_ =	strace s9  }
0x27: {  	s1 =	sld [smem:$0x3FAB]  }
0x28: {  	s2 =	sld [smem:$0x3FAC]  }
0x29: {  	s4 =	sld [smem:$0x3FAE]  }
0x2a: {  	p0 =	seq.s32 s5, $0x0;
	s5 =	sld [smem:$0x3FAF]  }
0x2b: {  	s6 =	sld [smem:$0x3FB0]  }
0x2c: {  	s7 =	sld [smem:$0x3FB1]  }
0x2d: {  	s3 =	simm.s32 $0x108;
	s8 =	sld [smem:$0x3FB2]  }
0x2e: {  	s3 =	simm.s32 @!p0 $0x1082;
	s9 =	sld [smem:$0x3FB3]  }
0x2f: {  	lr =	sadd.s32 s0, s3;
	s0 =	sld [smem:$0x3FAA]  }
0x30: {  	s3 =	sld [smem:$0x3FAD]  }
0x31: {  	[smem:$0x3FB6] =	sst s10  }
0x32: {  	s10 =	sld [smem:$0x3FB4];
	_ =	sdelay $0x3  }
0x33: {  	p0 =	seq.s32 s10, $0x1;
	s10 =	sld [smem:$0x3FB6];
	_ =	sdelay $0x3  }
0x34: {  	[smem:$0x3FB6] =	sst s10  }
0x35: {  	s10 =	sld [smem:$0x3FB5];
	_ =	sdelay $0x3  }
0x36: {  	p1 =	seq.s32 s10, $0x1;
	s10 =	sld [smem:$0x3FB6];
	_ =	sdelay $0x3  }
0x37: {  	[smem:$0x3FB6] =	sst s10  }
0x38: {  	s10 =	sld [smem:$0x3FB7]  }
0x39: {  	_ = 	snop;
	(pc) =	sbr.ind lr, $3  }
0x3a: {  	_ = 	snop  }
0x3b: {  	_ = 	snop  }
0x3c: {  	p2 =	seq.s32 s10, $0x1;
	s10 =	sld [smem:$0x3FB6]  }
0x3d: {  	_ =	shalt  }
0x3e: {  	_ =	shalt  }
0x3f: {  	_ =	shalt  }
0x40: {  	_ =	shalt  }
0x41: {  	_ =	shalt  }
0x42: {  	_ =	shalt  }
0x43: {  	_ =	shalt  }
0x44: {  	_ =	shalt  }
0x45: {  	_ =	shalt  }
0x46: {  	_ =	shalt  }
0x47: {  	_ =	shalt  }
0x48: {  	_ =	shalt  }
0x49: {  	_ =	shalt  }
0x4a: {  	_ =	shalt  }
0x4b: {  	_ =	shalt  }
0x4c: {  	_ =	shalt  }
0x4d: {  	_ =	shalt  }
0x4e: {  	_ =	shalt  }
0x4f: {  	_ =	shalt  }
0x50: {  	_ =	shalt  }
0x51: {  	_ =	shalt  }
0x52: {  	_ =	shalt  }
0x53: {  	_ =	shalt  }
0x54: {  	_ =	shalt  }
0x55: {  	_ =	shalt  }
0x56: {  	_ =	shalt  }
0x57: {  	_ =	shalt  }
0x58: {  	_ =	shalt  }
0x59: {  	_ =	shalt  }
0x5a: {  	_ =	shalt  }
0x5b: {  	_ =	shalt  }
0x5c: {  	_ =	shalt  }
0x5d: {  	_ =	shalt  }
0x5e: {  	_ =	shalt  }
0x5f: {  	_ =	shalt  }
0x60: {  	_ =	shalt  }
0x61: {  	_ =	shalt  }
0x62: {  	_ =	shalt  }
0x63: {  	_ =	shalt  }
0x64: {  	_ =	shalt  }
0x65: {  	_ =	shalt  }
0x66: {  	_ =	shalt  }
0x67: {  	_ =	shalt  }
0x68: {  	_ =	shalt  }
0x69: {  	_ =	shalt  }
0x6a: {  	_ =	shalt  }
0x6b: {  	_ =	shalt  }
0x6c: {  	_ =	shalt  }
0x6d: {  	_ =	shalt  }
0x6e: {  	_ =	shalt  }
0x6f: {  	_ =	shalt  }
0x70: {  	_ =	shalt  }
0x71: {  	_ =	shalt  }
0x72: {  	_ =	shalt  }
0x73: {  	_ =	shalt  }
0x74: {  	_ =	shalt  }
0x75: {  	_ =	shalt  }
0x76: {  	_ =	shalt  }
0x77: {  	_ =	shalt  }
0x78: {  	_ =	shalt  }
0x79: {  	_ =	shalt  }
0x7a: {  	_ =	shalt  }
0x7b: {  	_ =	shalt  }
0x7c: {  	_ =	shalt  }
0x7d: {  	_ =	shalt  }
0x7e: {  	_ =	shalt  }
0x7f: {  	_ =	shalt  }
0x80: {  	_ =	shalt  }
0x81: {  	_ =	shalt  }
0x82: {  	_ =	shalt  }
0x83: {  	_ =	shalt  }
0x84: {  	_ =	shalt  }
0x85: {  	_ =	shalt  }
0x86: {  	_ =	shalt  }
0x87: {  	_ =	shalt  }
.Lfunc_end0:
.L_simem_size_0:
called_computation_lowered:
.L_overlay_start_0:
0x88: {  	s2 =	sld [smem:$0x3FD9]  }
0x89: {  	s3 =	sld [smem:$0x3FFE];
	_ =	sdelay $0x1  }
0x8a: {  	s1 =	srdreg.scid  }
0x8b: {  	s0 =	sand.u32 $0x1, s1  }
0x8c: {  	s17 =	sshll.u32 s0, $0xA;
	s2 =	sadd.s32 s3, s2  }
0x8d: {  	s2 =	sadd.s32 s2, s17  }
0x8e: {  	[smem:$0x3FC2] =	sst s2  }
0x8f: {  	_ = 	snop  }
0x90: {  	s2 =	sld [smem:$0x3FC9]  }
0x91: {  	s18 =	sld [smem:$0x3FD0];
	(tm) =	ssettm $0x1  }
0x92: {  	s4 =	sld [smem:$0x3FFB];
	_ =	sdelay $0x3  }
0x93: {  	_ =	strace s4  }
0x94: {  	s4 =	sld [smem:$0x3FFC];
	_ =	sdelay $0x3  }
0x95: {  	_ =	strace s4  }
0x96: {  	s4 =	sld [smem:$0x3FFD];
	_ =	sdelay $0x3  }
0x97: {  	_ =	strace s4  }
0x98: {  	_ =	strace $0x8FFFFFFF  }
0x99: {  	s19 =	sld [smem:$0x3FDB];
	_ =	sdelay $0x1  }
0x9a: {  	s5 =	simm.s32 $_scs_section_size  }
0x9b: {  	s6 =	simm.s32 $_size__tile_overlayer_lowered;
	s7 =	simm.s32 $_tile_overlayer_lowered  }
0x9c: {  	s22 =	simm.s32 $0x1BFF;
	s21 =	sshll.u32 s7, $0x1;
	s4 =	sadd.s32 s5, s19  }
0x9d: {  	s8 =	simm.s32 $0x0;
	s20 =	sshll.u32 s6, $0x1;
	s6 =	sadd.s32 s21, s4  }
0x9e: {  	[timem:s8], [sflag:s22] =	dma.local [hbm:s6], s20  }
0x9f: {  	_ =	swait.ge [sflag:s22], s20  }
0xa0: {  	s5 =	ssub.s32 $0x0, s20;
	[sflag:s22] =	ssyncset.done $0x0  }
0xa1: {  	[sflag:s22] =	ssyncadd.s32 s5;
	_ =	sdelay $0x1  }
0xa2: {  	s23 =	simm.s32 $0x1B8B  }
0xa3: {  	_ =	swait.ge [sflag:s23], $0x1  }
0xa4: {  	[sflag:s23] =	ssyncset.done $0x0  }
0xa5: {  	s25 =	simm.s32 $0x1B8E;
	s24 =	sld [smem:$0x3FFE];
	[sflag:s23] =	ssyncadd.s32 $0xFFFFFFFF  }
0xa6: {  	s26 =	simm.s32 $execute0_lowered;
	[smem:$0x3FD2] =	sst s25  }
0xa7: {  	s6 =	sshll.u32 s26, $0x1;
	_ =	strace $0x80000046;
	[dreg:$0x1] =	wrdreg $0xFFFFFFFF  }
0xa8: {  	s28 =	simm.s32 $_size_execute0_lowered;
	s4 =	sadd.s32 s4, s6;
	[dreg:$0x0] =	wrdreg $0x0  }
0xa9: {  	s6 =	sshll.u32 s28, $0x1;
	[dreg:$0x2] =	wrdreg s4  }
0xaa: {  	[dreg:$0x3] =	wrdreg s6  }
0xab: {  	[dreg:$0x4] =	wrdreg $0xC0  }
0xac: {  	_ =	task [dreg:s8], $0x5FFFF  }
0xad: {  	[dreg:$0x1] =	wrdreg $0xFFFFFFFF  }
0xae: {  	[dreg:$0x0] =	wrdreg $0x60  }
0xaf: {  	[dreg:$0x2] =	wrdreg s2  }
0xb0: {  	[dreg:$0x3] =	wrdreg s18  }
0xb1: {  	[dreg:$0x4] =	wrdreg s24  }
0xb2: {  	[dreg:$0x5] =	wrdreg $0x97000  }
0xb3: {  	[dreg:$0x6] =	wrdreg $0x1D7000  }
0xb4: {  	[dreg:$0x7] =	wrdreg $0x9  }
0xb5: {  	_ =	task.clear_ibuf [dreg:s8], $0x8FFFF;
	_ =	strace $0x90000046  }
0xb6: {  	s29 =	simm.s32 $0x9;
	_ =	strace $0x80000048  }
0xb7: {  	_ =	swait.ge [sflag:s29], $0x1  }
0xb8: {  	[sflag:s29] =	ssyncadd.s32 $0xFFFFFFFF  }
0xb9: {  	_ =	strace $0x90000048  }
0xba: {  	_ =	sfence  }
0xbb: {  	s30 =	sld [smem:$0x0];
	_ =	sdelay $0x2  }
0xbc: {  	s31 =	sshll.u32 s1, $0xD;
	s1 =	sshrl.u32 s1, $0x2  }
0xbd: {  	s3 =	sand.u32 $0x4000, s31;
	s1 =	sadd.s32 s1, s30  }
0xbe: {  	s0 =	sor.u32 s3, s0;
	s1 =	sshll.u32 s1, $0x11  }
0xbf: {  	s0 =	sor.u32 s1, s0  }
0xc0: {  	s0 =	sadd.s32 $0x8F2B, s0  }
0xc1: {  	[sflag:s0] =	ssyncadd.remote.s32 $0x1  }
0xc2: {  	_ =	sfence.sel $0xFFFF  }
0xc3: {  	[dreg:$0x0] =	wrdreg $0xFFFFFFFF;
	(pc) =	sbr.abs _section_cstart, $3  }
0xc4: {  	[dreg:$0x1] =	wrdreg $0xFFFFFFFF  }
0xc5: {  	_ =	task.clear_ibuf [dreg:s8], $0x2FFFF;
	_ =	strace $0x9FFFFFFF  }
0xc6: {  	(tm) =	ssettm $0x7FFFFFFF  }
0xc7: {  	_ =	shalt  }
tec
execute0_lowered:
.L_overlay_start_1:
0x0: {  	(tag) =	ssettag $0x1  }
0x1: {  	s1 =	rddreg [dreg:$0x0]  }
0x2: {  	s0 =	rddreg [dreg:$0x2]  }
0x3: {  	s3 =	rddreg [dreg:$0x3]  }
0x4: {  	s4 =	rddreg [dreg:$0x4]  }
0x5: {  	s6 =	simm.s32 $0x0;
	s5 =	srdreg.scid;
	s2 =	stileid.u32  }
0x6: {  	s18 =	simm.s32 $0x180;
	s19 =	simm.s32 $0x200;
	s20 =	simm.s32 $0x280  }
0x7: {  	s21 =	simm.s32 $0x300;
	s22 =	simm.s32 $0x380;
	s28 =	simm.s32 $0x5  }
0x8: {  	s29 =	simm.s32 $0x580;
	s30 =	simm.s32 $0x4;
	s31 =	simm.s32 $0x6  }
0x9: {  	[smem:$0x7FF] =	sst s6;
	s5 =	sand.u32 $0x1, s5;
	s8 =	smul.u32 $0x50000, s2  }
0xa: {  	s9 =	sadd.s32 $0xC000, s0;
	s10 =	sadd.s32 $0x34000, s0;
	s12 =	smul.u32 $0xA000, s2  }
0xb: {  	s13 =	sadd.s32 $0x2000, s0;
	s0 =	sadd.s32 $0x7000, s0;
	s24 =	smul.u32 $0x14000, s2  }
0xc: {  	s25 =	smul.u32 $0x2800, s2;
	_ =	strace $0x80000047;
	[dreg:$0x7] =	wrdreg s18  }
0xd: {  	s17 =	smul.u32 $0x500, s2;
	s7 =	ssub.s32 $0x2, s5;
	[dreg:$0x8] =	wrdreg s19  }
0xe: {  	s23 =	sshll.u32 s5, $0x4;
	s18 =	simm.s32 $0x80;
	[dreg:$0x9] =	wrdreg s20  }
0xf: {  	s19 =	simm.s32 $0xA00;
	s20 =	simm.s32 $0x1;
	[dreg:$0xa] =	wrdreg s21  }
0x10: {  	s21 =	simm.s32 $0x4A00;
	[dreg:$0xb] =	wrdreg s22;
	s22 =	simm.s32 $0x8A00  }
0x11: {  	s11 =	sshrl.u32 s7, $0x1;
	s8 =	sshrl.u32 s8, $0x2;
	s12 =	sshrl.u32 s12, $0x2  }
0x12: {  	s14 =	sor.u32 s2, s23;
	s15 =	sshrl.u32 s24, $0x3;
	s16 =	sshrl.u32 s25, $0x3  }
0x13: {  	s23 =	simm.s32 $0x400;
	s11 =	ssub.s32 s7, s11;
	s7 =	sadd.s32 s8, s3  }
0x14: {  	s8 =	sadd.s32 s12, s4;
	p0 =	slt.u32 s14, $0x1A;
	s14 =	simm.s32 $0x8  }
0x15: {  	s12 =	sadd.s32 s24, s3;
	[dreg:$0xc] =	wrdreg s23;
	s24 =	simm.s32 $0x480  }
0x16: {  	s23 =	simm.s32 $0x2;
	s14 =	simm.s32 @!p0 $0x7;
	[dreg:$0xd] =	wrdreg s24  }
0x17: {  	p0 =	seq.s32 s5, $0x1;
	s5 =	smul.u32 $0x5000, s5;
	[dreg:$0xe] =	wrdreg s7  }
0x18: {  	s26 =	smax.u32 s11, $0x1;
	s24 =	simm.s32 $0x880;
	[dreg:$0xf] =	wrdreg s14  }
0x19: {  	s14 =	sadd.s32 s25, s4;
	[dreg:$0x10] =	wrdreg s26;
	s9 =	smov.u32 @p0 s10  }
0x1a: {  	s13 =	smov.u32 @p0 s0;
	s25 =	sshrl.u32 s12, $0x3;
	s0 =	simm.s32 $0x600  }
0x1b: {  	s10 =	simm.s32 $0x700;
	s12 =	simm.s32 $0x800;
	s11 =	sadd.s32 s9, s15  }
0x1c: {  	s15 =	sadd.s32 s13, s16;
	s16 =	sadd.s32 s17, s5;
	[dreg:$0x14] =	wrdreg s25  }
0x1d: {  	s17 =	simm.s32 $0x100;
	s26 =	sshrl.u32 s14, $0x3;
	[dreg:$0x11] =	wrdreg s11  }
0x1e: {  	s5 =	simm.s32 $0x680;
	s25 =	simm.s32 $0x900;
	[dreg:$0x12] =	wrdreg s15  }
0x1f: {  	s9 =	simm.s32 $0x980;
	s14 =	simm.s32 $0x0;
	[dreg:$0x13] =	wrdreg s16  }
0x20: {  	s15 =	simm.s32 $0x7;
	[dreg:$0x6] =	wrdreg s17;
	s17 =	simm.s32 $0x500  }
0x21: {  	v0 =	vimm.f32 $0.0e+00;
	v1 =	vimm.f32 $1.000000000e+00;
	[dreg:$0x15] =	wrdreg s26;
	s26 =	simm.s32 $0x3;
	s11 =	simm.s32 $0x780  }
.LBB2_1:
0x22: {  	s13 =	sand.u32 $0xE00, s6  }
0x23: {  	[dreg:$0x16] =	wrdreg s14;
	s2 =	sand.u32 $0x70, s6;
	s16 =	sshrl.u32 s13, $0x2  }
0x24: {  	s14 =	simm.s32 $0x0;
	s13 =	simm.s32 $0x40;
	s16 =	sor.u32 s2, s16  }
.LBB2_2:
0x25: {  	p0 =	sne.s32 s13, $0xFC0  }
0x26: {  	[tilespmem:s16+$0x9200] =	vst v0;
	s14 =	sadd.s32 $0x10, s14;
	s16 =	smov.u32 s13;
	s13 =	sadd.s32 $0x40, s13  }
.Ltmp0:
0x27: {  	(pc) =	sbr.rel @p0 .LBB2_2-.Ltmp0, $4  }
0x28: {  	_ = 	snop  }
0x29: {  	s16 =	sand.u32 $0xE00, s16  }
0x2a: {  	s2 =	sand.u32 $0x70, s14;
	s16 =	sshrl.u32 s16, $0x2  }
0x2b: {  	s16 =	sor.u32 s2, s16  }
0x2c: {  	[tilespmem:s16+$0x9200] =	vst v0  }
0x2d: {  	[tilespmem:$0x9600] =	vst v0  }
0x2e: {  	[tilespmem:$0x9610] =	vst v0  }
0x2f: {  	[tilespmem:$0x9620] =	vst v0  }
0x30: {  	[tilespmem:$0x9630] =	vst v0  }
0x31: {  	[tilespmem:$0x9640] =	vst v0  }
0x32: {  	[tilespmem:$0x9650] =	vst v0  }
0x33: {  	[tilespmem:$0x9660] =	vst v0  }
0x34: {  	[tilespmem:$0x9670] =	vst v0  }
0x35: {  	[tilespmem:$0x9680] =	vst v0  }
0x36: {  	[tilespmem:$0x9690] =	vst v0  }
0x37: {  	[tilespmem:$0x96A0] =	vst v0  }
0x38: {  	[tilespmem:$0x96B0] =	vst v0  }
0x39: {  	[tilespmem:$0x96C0] =	vst v0  }
0x3a: {  	[tilespmem:$0x96D0] =	vst v0  }
0x3b: {  	[tilespmem:$0x96E0] =	vst v0  }
0x3c: {  	s13 =	simm.s32 $0x40;
	s14 =	simm.s32 $0x0;
	[tilespmem:$0x96F0] =	vst v0  }
.LBB2_4:
0x3d: {  	p0 =	sne.s32 s13, $0x1FC0;
	[tilespmem:s14+$0x8A00] =	vst v1;
	s2 =	smov.u32 s13;
	s13 =	sadd.s32 $0x40, s13  }
.Ltmp1:
0x3e: {  	(pc) =	sbr.rel @p0 .LBB2_4-.Ltmp1, $2  }
0x3f: {  	_ =	sdelay $0x2  }
0x40: {  	s14 =	sshra.s32 s2, $0x2  }
0x41: {  	[tilespmem:s14+$0x8A00] =	vst v1;
	s2 =	sadd.s32 $0x0, s7;
	s14 =	simm.s32 $0x9200  }
0x42: {  	[spmem:s2] =	stream.linear.scatter [tilespmem:s14], [sflag:$0x7], $0x400, $0x38;
	[tilespmem:$0x1FF00] =	vst v63  }
0x43: {  	s13 =	simm.s32 $0x1000;
	s16 =	simm.s32 $0x9600;
	_ =	swait.ge [sflag:s15], $0x400  }
.LBB2_6:
0x44: {  	s2 =	sshra.s32 s13, $0x2;
	[sflag:s15] =	ssyncset.done $0x0;
	p0 =	sne.s32 s13, $0x4F000  }
.Ltmp2:
0x45: {  	s2 =	sadd.s32 s2, s7;
	[sflag:s15] =	ssyncadd.s32 $0xFFFFFC00;
	(pc) =	sbr.rel @p0 .LBB2_6-.Ltmp2, $3  }
0x46: {  	[spmem:s2] =	stream.linear.scatter [tilespmem:s14], [sflag:$0x7], $0x400, $0x38;
	[tilespmem:$0x1FF00] =	vst v63  }
0x47: {  	s13 =	sadd.s32 $0x1000, s13;
	_ =	sdelay $0x1  }
0x48: {  	_ =	swait.ge [sflag:s15], $0x400  }
0x49: {  	[sflag:s15] =	ssyncset.done $0x0  }
0x4a: {  	s2 =	sadd.s32 $0x0, s8;
	[sflag:s15] =	ssyncadd.s32 $0xFFFFFC00  }
0x4b: {  	[spmem:s2] =	stream.linear.scatter [tilespmem:s16], [sflag:$0x7], $0x100, $0x38;
	[tilespmem:$0x1FF00] =	vst v63  }
0x4c: {  	_ =	swait.ge [sflag:s15], $0x100  }
0x4d: {  	s7 =	rddreg [dreg:$0x1]  }
0x4e: {  	s13 =	simm.s32 $0x400;
	s14 =	rddreg [dreg:$0x13]  }
.LBB2_8:
0x4f: {  	s2 =	sshra.s32 s13, $0x2;
	[sflag:s15] =	ssyncset.done $0x0;
	p0 =	sne.s32 s13, $0x9C00  }
.Ltmp3:
0x50: {  	s2 =	sadd.s32 s2, s8;
	[sflag:s15] =	ssyncadd.s32 $0xFFFFFF00;
	(pc) =	sbr.rel @p0 .LBB2_8-.Ltmp3, $3  }
0x51: {  	[spmem:s2] =	stream.linear.scatter [tilespmem:s16], [sflag:$0x7], $0x100, $0x38;
	[tilespmem:$0x1FF00] =	vst v63  }
0x52: {  	s13 =	sadd.s32 $0x400, s13;
	_ =	sdelay $0x1  }
0x53: {  	_ =	swait.ge [sflag:s15], $0x100  }
0x54: {  	[sflag:s15] =	ssyncset.done $0x0  }
0x55: {  	[sflag:s15] =	ssyncadd.s32 $0xFFFFFF00  }
0x56: {  	[bflag:$0x0] =	sbarrier.arrive $0xFFFF  }
0x57: {  	s2 =	rddreg [dreg:$0xf]  }
0x58: {  	p1 =	sne.s32 s2, $0x1  }
.Ltmp4:
0x59: {  	_ = 	snop;
	(pc) =	sbr.rel @!p1 .LBB2_10-.Ltmp4, $2  }
0x5a: {  	_ =	sdelay $0x2  }
0x5b: {  	s16 =	sshrl.u32 s14, $0x3;
	p0 =	por $0x0, $0x0;
	s13 =	sadd.s32 $0xFFFFFFFF, s2  }
0x5c: {  	s2 =	sadd.s32 s7, s16  }
0x5d: {  	[tilespmem:s6], [sflag:$0x7] =	stream.linear.gather [hbm4b:s2+s6], $0x500, $0x38;
	[tilespmem:$0x1FF00] =	vst v63  }
0x5e: {  	s16 =	sadd.s32 $0x4E200, s14;
	_ =	swait.ge [sflag:s15], $0x500  }
0x5f: {  	s2 =	sshrl.u32 s16, $0x3;
	[sflag:s15] =	ssyncset.done $0x0  }
0x60: {  	s2 =	sadd.s32 s7, s2;
	[sflag:s15] =	ssyncadd.s32 $0xFFFFFB00  }
0x61: {  	[tilespmem:s17], [sflag:$0x7] =	stream.linear.gather [hbm4b:s2+s6], $0x500, $0x38;
	[tilespmem:$0x1FF00] =	vst v63  }
0x62: {  	_ =	swait.ge [sflag:s15], $0x500  }
0x63: {  	[sflag:s15] =	ssyncset.done $0x0  }
0x64: {  	[sflag:s15] =	ssyncadd.s32 $0xFFFFFB00  }
0x65: {  	[tilespmem:s19], [sflag:$0x1] =	stream.indirect.gather [hbm4b:s1+s18], $0x80, s6, s18, $0xb8;
	[tilespmem:$0x1FF00] =	vst v63  }
0x66: {  	_ =	swait.ge [sflag:s20], $0x4000  }
0x67: {  	[sflag:s20] =	ssyncset.done $0x0  }
0x68: {  	[sflag:s20] =	ssyncadd.s32 $0xFFFFC000  }
0x69: {  	[tilespmem:s21], [sflag:$0x2] =	stream.indirect.gather [hbm4b:s1+s18], $0x80, s18, s18, $0xb8;
	[tilespmem:$0x1FF00] =	vst v63  }
0x6a: {  	_ = 	snop  }
0x6b: {  	[spmem:s3] =	stream.indirect.scatter.add.f32 [tilespmem:s19], [sflag:$0x3], $0x80, s17, s18, $0xb8;
	[tilespmem:$0x1FF00] =	vst v63  }
0x6c: {  	_ = 	snop  }
0x6d: {  	[spmem:s4] =	stream.indirect.scatter.add.f32 [tilespmem:s22], [sflag:$0x5], $0x10, s17, s18, $0xb8;
	[tilespmem:$0x1FF00] =	vst v63  }
0x6e: {  	_ =	swait.ge [sflag:s23], $0x4000  }
0x6f: {  	[sflag:s23] =	ssyncset.done $0x0  }
0x70: {  	[sflag:s23] =	ssyncadd.s32 $0xFFFFC000  }
0x71: {  	_ =	swait.ge [sflag:s26], $0x4000  }
0x72: {  	[sflag:s26] =	ssyncset.done $0x0  }
0x73: {  	[sflag:s26] =	ssyncadd.s32 $0xFFFFC000  }
0x74: {  	_ =	swait.ge [sflag:s28], $0x800  }
0x75: {  	[sflag:s28] =	ssyncset.done $0x0  }
0x76: {  	s16 =	rddreg [dreg:$0x6];
	[sflag:s28] =	ssyncadd.s32 $0xFFFFF800  }
0x77: {  	[tilespmem:s19], [sflag:$0x1] =	stream.indirect.gather [hbm4b:s1+s18], $0x80, s16, s18, $0xb8;
	[tilespmem:$0x1FF00] =	vst v63  }
0x78: {  	_ = 	snop  }
0x79: {  	[spmem:s3] =	stream.indirect.scatter.add.f32 [tilespmem:s21], [sflag:$0x4], $0x80, s29, s18, $0xb8;
	[tilespmem:$0x1FF00] =	vst v63  }
0x7a: {  	_ = 	snop  }
0x7b: {  	[spmem:s4] =	stream.indirect.scatter.add.f32 [tilespmem:s22], [sflag:$0x6], $0x10, s29, s18, $0xb8;
	[tilespmem:$0x1FF00] =	vst v63  }
0x7c: {  	_ =	swait.ge [sflag:s20], $0x4000  }
0x7d: {  	[sflag:s20] =	ssyncset.done $0x0  }
0x7e: {  	[sflag:s20] =	ssyncadd.s32 $0xFFFFC000  }
0x7f: {  	_ =	swait.ge [sflag:s30], $0x4000  }
0x80: {  	[sflag:s30] =	ssyncset.done $0x0  }
0x81: {  	[sflag:s30] =	ssyncadd.s32 $0xFFFFC000  }
0x82: {  	_ =	swait.ge [sflag:s31], $0x800  }
0x83: {  	[sflag:s31] =	ssyncset.done $0x0  }
0x84: {  	s16 =	rddreg [dreg:$0x7];
	[sflag:s31] =	ssyncadd.s32 $0xFFFFF800  }
0x85: {  	[tilespmem:s21], [sflag:$0x2] =	stream.indirect.gather [hbm4b:s1+s18], $0x80, s16, s18, $0xb8;
	[tilespmem:$0x1FF00] =	vst v63  }
0x86: {  	_ = 	snop  }
0x87: {  	[spmem:s3] =	stream.indirect.scatter.add.f32 [tilespmem:s19], [sflag:$0x3], $0x80, s0, s18, $0xb8;
	[tilespmem:$0x1FF00] =	vst v63  }
0x88: {  	_ = 	snop  }
0x89: {  	[spmem:s4] =	stream.indirect.scatter.add.f32 [tilespmem:s22], [sflag:$0x5], $0x10, s0, s18, $0xb8;
	[tilespmem:$0x1FF00] =	vst v63  }
0x8a: {  	_ =	swait.ge [sflag:s23], $0x4000  }
0x8b: {  	[sflag:s23] =	ssyncset.done $0x0  }
0x8c: {  	[sflag:s23] =	ssyncadd.s32 $0xFFFFC000  }
0x8d: {  	_ =	swait.ge [sflag:s26], $0x4000  }
0x8e: {  	[sflag:s26] =	ssyncset.done $0x0  }
0x8f: {  	[sflag:s26] =	ssyncadd.s32 $0xFFFFC000  }
0x90: {  	_ =	swait.ge [sflag:s28], $0x800  }
0x91: {  	[sflag:s28] =	ssyncset.done $0x0  }
0x92: {  	s16 =	rddreg [dreg:$0x8];
	[sflag:s28] =	ssyncadd.s32 $0xFFFFF800  }
0x93: {  	[tilespmem:s19], [sflag:$0x1] =	stream.indirect.gather [hbm4b:s1+s18], $0x80, s16, s18, $0xb8;
	[tilespmem:$0x1FF00] =	vst v63  }
0x94: {  	_ = 	snop  }
0x95: {  	[spmem:s3] =	stream.indirect.scatter.add.f32 [tilespmem:s21], [sflag:$0x4], $0x80, s5, s18, $0xb8;
	[tilespmem:$0x1FF00] =	vst v63  }
0x96: {  	_ = 	snop  }
0x97: {  	[spmem:s4] =	stream.indirect.scatter.add.f32 [tilespmem:s22], [sflag:$0x6], $0x10, s5, s18, $0xb8;
	[tilespmem:$0x1FF00] =	vst v63  }
0x98: {  	_ =	swait.ge [sflag:s20], $0x4000  }
0x99: {  	[sflag:s20] =	ssyncset.done $0x0  }
0x9a: {  	[sflag:s20] =	ssyncadd.s32 $0xFFFFC000  }
0x9b: {  	_ =	swait.ge [sflag:s30], $0x4000  }
0x9c: {  	[sflag:s30] =	ssyncset.done $0x0  }
0x9d: {  	[sflag:s30] =	ssyncadd.s32 $0xFFFFC000  }
0x9e: {  	_ =	swait.ge [sflag:s31], $0x800  }
0x9f: {  	[sflag:s31] =	ssyncset.done $0x0  }
0xa0: {  	s16 =	rddreg [dreg:$0x9];
	[sflag:s31] =	ssyncadd.s32 $0xFFFFF800  }
0xa1: {  	[tilespmem:s21], [sflag:$0x2] =	stream.indirect.gather [hbm4b:s1+s18], $0x80, s16, s18, $0xb8;
	[tilespmem:$0x1FF00] =	vst v63  }
0xa2: {  	_ = 	snop  }
0xa3: {  	[spmem:s3] =	stream.indirect.scatter.add.f32 [tilespmem:s19], [sflag:$0x3], $0x80, s10, s18, $0xb8;
	[tilespmem:$0x1FF00] =	vst v63  }
0xa4: {  	_ = 	snop  }
0xa5: {  	[spmem:s4] =	stream.indirect.scatter.add.f32 [tilespmem:s22], [sflag:$0x5], $0x10, s10, s18, $0xb8;
	[tilespmem:$0x1FF00] =	vst v63  }
0xa6: {  	_ =	swait.ge [sflag:s23], $0x4000  }
0xa7: {  	[sflag:s23] =	ssyncset.done $0x0  }
0xa8: {  	[sflag:s23] =	ssyncadd.s32 $0xFFFFC000  }
0xa9: {  	_ =	swait.ge [sflag:s26], $0x4000  }
0xaa: {  	[sflag:s26] =	ssyncset.done $0x0  }
0xab: {  	[sflag:s26] =	ssyncadd.s32 $0xFFFFC000  }
0xac: {  	_ =	swait.ge [sflag:s28], $0x800  }
0xad: {  	[sflag:s28] =	ssyncset.done $0x0  }
0xae: {  	s16 =	rddreg [dreg:$0xa];
	[sflag:s28] =	ssyncadd.s32 $0xFFFFF800  }
0xaf: {  	[tilespmem:s19], [sflag:$0x1] =	stream.indirect.gather [hbm4b:s1+s18], $0x80, s16, s18, $0xb8;
	[tilespmem:$0x1FF00] =	vst v63  }
0xb0: {  	_ = 	snop  }
0xb1: {  	[spmem:s3] =	stream.indirect.scatter.add.f32 [tilespmem:s21], [sflag:$0x4], $0x80, s11, s18, $0xb8;
	[tilespmem:$0x1FF00] =	vst v63  }
0xb2: {  	_ = 	snop  }
0xb3: {  	[spmem:s4] =	stream.indirect.scatter.add.f32 [tilespmem:s22], [sflag:$0x6], $0x10, s11, s18, $0xb8;
	[tilespmem:$0x1FF00] =	vst v63  }
0xb4: {  	_ =	swait.ge [sflag:s20], $0x4000  }
0xb5: {  	[sflag:s20] =	ssyncset.done $0x0  }
0xb6: {  	[sflag:s20] =	ssyncadd.s32 $0xFFFFC000  }
0xb7: {  	_ =	swait.ge [sflag:s30], $0x4000  }
0xb8: {  	[sflag:s30] =	ssyncset.done $0x0  }
0xb9: {  	[sflag:s30] =	ssyncadd.s32 $0xFFFFC000  }
0xba: {  	_ =	swait.ge [sflag:s31], $0x800  }
0xbb: {  	[sflag:s31] =	ssyncset.done $0x0  }
0xbc: {  	s16 =	rddreg [dreg:$0xb];
	[sflag:s31] =	ssyncadd.s32 $0xFFFFF800  }
0xbd: {  	[tilespmem:s21], [sflag:$0x2] =	stream.indirect.gather [hbm4b:s1+s18], $0x80, s16, s18, $0xb8;
	[tilespmem:$0x1FF00] =	vst v63  }
0xbe: {  	_ = 	snop  }
0xbf: {  	[spmem:s3] =	stream.indirect.scatter.add.f32 [tilespmem:s19], [sflag:$0x3], $0x80, s12, s18, $0xb8;
	[tilespmem:$0x1FF00] =	vst v63  }
0xc0: {  	_ = 	snop  }
0xc1: {  	[spmem:s4] =	stream.indirect.scatter.add.f32 [tilespmem:s22], [sflag:$0x5], $0x10, s12, s18, $0xb8;
	[tilespmem:$0x1FF00] =	vst v63  }
0xc2: {  	_ =	swait.ge [sflag:s23], $0x4000  }
0xc3: {  	[sflag:s23] =	ssyncset.done $0x0  }
0xc4: {  	[sflag:s23] =	ssyncadd.s32 $0xFFFFC000  }
0xc5: {  	_ =	swait.ge [sflag:s26], $0x4000  }
0xc6: {  	[sflag:s26] =	ssyncset.done $0x0  }
0xc7: {  	[sflag:s26] =	ssyncadd.s32 $0xFFFFC000  }
0xc8: {  	_ =	swait.ge [sflag:s28], $0x800  }
0xc9: {  	[sflag:s28] =	ssyncset.done $0x0  }
0xca: {  	s16 =	rddreg [dreg:$0xc];
	[sflag:s28] =	ssyncadd.s32 $0xFFFFF800  }
0xcb: {  	[tilespmem:s19], [sflag:$0x1] =	stream.indirect.gather [hbm4b:s1+s18], $0x80, s16, s18, $0xb8;
	[tilespmem:$0x1FF00] =	vst v63  }
0xcc: {  	_ = 	snop  }
0xcd: {  	[spmem:s3] =	stream.indirect.scatter.add.f32 [tilespmem:s21], [sflag:$0x4], $0x80, s24, s18, $0xb8;
	[tilespmem:$0x1FF00] =	vst v63  }
0xce: {  	_ = 	snop  }
0xcf: {  	[spmem:s4] =	stream.indirect.scatter.add.f32 [tilespmem:s22], [sflag:$0x6], $0x10, s24, s18, $0xb8;
	[tilespmem:$0x1FF00] =	vst v63  }
0xd0: {  	_ =	swait.ge [sflag:s20], $0x4000  }
0xd1: {  	[sflag:s20] =	ssyncset.done $0x0  }
0xd2: {  	[sflag:s20] =	ssyncadd.s32 $0xFFFFC000  }
0xd3: {  	_ =	swait.ge [sflag:s30], $0x4000  }
0xd4: {  	[sflag:s30] =	ssyncset.done $0x0  }
0xd5: {  	[sflag:s30] =	ssyncadd.s32 $0xFFFFC000  }
0xd6: {  	_ =	swait.ge [sflag:s31], $0x800  }
0xd7: {  	[sflag:s31] =	ssyncset.done $0x0  }
0xd8: {  	s16 =	rddreg [dreg:$0xd];
	[sflag:s31] =	ssyncadd.s32 $0xFFFFF800  }
0xd9: {  	[tilespmem:s21], [sflag:$0x2] =	stream.indirect.gather [hbm4b:s1+s18], $0x80, s16, s18, $0xb8;
	[tilespmem:$0x1FF00] =	vst v63  }
0xda: {  	_ = 	snop  }
0xdb: {  	[spmem:s3] =	stream.indirect.scatter.add.f32 [tilespmem:s19], [sflag:$0x3], $0x80, s25, s18, $0xb8;
	[tilespmem:$0x1FF00] =	vst v63  }
0xdc: {  	_ = 	snop  }
0xdd: {  	[spmem:s4] =	stream.indirect.scatter.add.f32 [tilespmem:s22], [sflag:$0x5], $0x10, s25, s18, $0xb8;
	[tilespmem:$0x1FF00] =	vst v63  }
0xde: {  	_ =	swait.ge [sflag:s23], $0x4000  }
0xdf: {  	[sflag:s23] =	ssyncset.done $0x0  }
0xe0: {  	[sflag:s23] =	ssyncadd.s32 $0xFFFFC000  }
0xe1: {  	_ =	swait.ge [sflag:s26], $0x4000  }
0xe2: {  	[sflag:s26] =	ssyncset.done $0x0  }
0xe3: {  	[sflag:s26] =	ssyncadd.s32 $0xFFFFC000  }
0xe4: {  	_ =	swait.ge [sflag:s28], $0x800  }
0xe5: {  	[sflag:s28] =	ssyncset.done $0x0  }
0xe6: {  	[sflag:s28] =	ssyncadd.s32 $0xFFFFF800  }
0xe7: {  	[spmem:s3] =	stream.indirect.scatter.add.f32 [tilespmem:s21], [sflag:$0x4], $0x80, s9, s18, $0xb8;
	[tilespmem:$0x1FF00] =	vst v63  }
0xe8: {  	p1 =	sne.s32 s13, $0x1  }
0xe9: {  	[spmem:s4] =	stream.indirect.scatter.add.f32 [tilespmem:s22], [sflag:$0x6], $0x10, s9, s18, $0xb8;
	[tilespmem:$0x1FF00] =	vst v63  }
.Ltmp5:
0xea: {  	_ =	swait.ge [sflag:s30], $0x4000;
	(pc) =	sbr.rel @!p1 .LBB2_12-.Ltmp5, $4  }
0xeb: {  	[sflag:s30] =	ssyncset.done $0x0  }
0xec: {  	s16 =	smov.u32 s14;
	[sflag:s30] =	ssyncadd.s32 $0xFFFFC000  }
0xed: {  	s14 =	sadd.s32 $0xFFFFFFFF, s13;
	s13 =	sadd.s32 $0xA000, s16;
	_ =	swait.ge [sflag:s31], $0x800  }
0xee: {  	p0 =	por $0x1, $0x1;
	s16 =	sshrl.u32 s13, $0x3;
	[sflag:s31] =	ssyncset.done $0x0  }
.LBB2_13:
0xef: {  	s2 =	sadd.s32 s7, s16;
	[sflag:s31] =	ssyncadd.s32 $0xFFFFF800  }
0xf0: {  	[tilespmem:s6], [sflag:$0x7] =	stream.linear.gather [hbm4b:s2+s6], $0x500, $0x38;
	[tilespmem:$0x1FF00] =	vst v63  }
0xf1: {  	s16 =	sadd.s32 $0x4E200, s13;
	_ =	swait.ge [sflag:s15], $0x500  }
0xf2: {  	s2 =	sshrl.u32 s16, $0x3;
	[sflag:s15] =	ssyncset.done $0x0  }
0xf3: {  	s2 =	sadd.s32 s7, s2;
	[sflag:s15] =	ssyncadd.s32 $0xFFFFFB00  }
0xf4: {  	[tilespmem:s17], [sflag:$0x7] =	stream.linear.gather [hbm4b:s2+s6], $0x500, $0x38;
	[tilespmem:$0x1FF00] =	vst v63  }
0xf5: {  	_ =	swait.ge [sflag:s15], $0x500  }
0xf6: {  	[sflag:s15] =	ssyncset.done $0x0  }
0xf7: {  	[sflag:s15] =	ssyncadd.s32 $0xFFFFFB00  }
0xf8: {  	[tilespmem:s19], [sflag:$0x1] =	stream.indirect.gather [hbm4b:s1+s18], $0x80, s6, s18, $0xb8;
	[tilespmem:$0x1FF00] =	vst v63  }
0xf9: {  	_ =	swait.ge [sflag:s20], $0x4000  }
0xfa: {  	[sflag:s20] =	ssyncset.done $0x0  }
0xfb: {  	[sflag:s20] =	ssyncadd.s32 $0xFFFFC000  }
0xfc: {  	[tilespmem:s21], [sflag:$0x2] =	stream.indirect.gather [hbm4b:s1+s18], $0x80, s18, s18, $0xb8;
	[tilespmem:$0x1FF00] =	vst v63  }
0xfd: {  	_ = 	snop  }
0xfe: {  	[spmem:s3] =	stream.indirect.scatter.add.f32 [tilespmem:s19], [sflag:$0x3], $0x80, s17, s18, $0xb8;
	[tilespmem:$0x1FF00] =	vst v63  }
0xff: {  	_ = 	snop  }
0x100: {  	[spmem:s4] =	stream.indirect.scatter.add.f32 [tilespmem:s22], [sflag:$0x5], $0x10, s17, s18, $0xb8;
	[tilespmem:$0x1FF00] =	vst v63  }
0x101: {  	_ =	swait.ge [sflag:s23], $0x4000  }
0x102: {  	[sflag:s23] =	ssyncset.done $0x0  }
0x103: {  	[sflag:s23] =	ssyncadd.s32 $0xFFFFC000  }
0x104: {  	_ =	swait.ge [sflag:s26], $0x4000  }
0x105: {  	[sflag:s26] =	ssyncset.done $0x0  }
0x106: {  	[sflag:s26] =	ssyncadd.s32 $0xFFFFC000  }
0x107: {  	_ =	swait.ge [sflag:s28], $0x800  }
0x108: {  	[sflag:s28] =	ssyncset.done $0x0  }
0x109: {  	s16 =	rddreg [dreg:$0x6];
	[sflag:s28] =	ssyncadd.s32 $0xFFFFF800  }
0x10a: {  	[tilespmem:s19], [sflag:$0x1] =	stream.indirect.gather [hbm4b:s1+s18], $0x80, s16, s18, $0xb8;
	[tilespmem:$0x1FF00] =	vst v63  }
0x10b: {  	_ = 	snop  }
0x10c: {  	[spmem:s3] =	stream.indirect.scatter.add.f32 [tilespmem:s21], [sflag:$0x4], $0x80, s29, s18, $0xb8;
	[tilespmem:$0x1FF00] =	vst v63  }
0x10d: {  	_ = 	snop  }
0x10e: {  	[spmem:s4] =	stream.indirect.scatter.add.f32 [tilespmem:s22], [sflag:$0x6], $0x10, s29, s18, $0xb8;
	[tilespmem:$0x1FF00] =	vst v63  }
0x10f: {  	_ =	swait.ge [sflag:s20], $0x4000  }
0x110: {  	[sflag:s20] =	ssyncset.done $0x0  }
0x111: {  	[sflag:s20] =	ssyncadd.s32 $0xFFFFC000  }
0x112: {  	_ =	swait.ge [sflag:s30], $0x4000  }
0x113: {  	[sflag:s30] =	ssyncset.done $0x0  }
0x114: {  	[sflag:s30] =	ssyncadd.s32 $0xFFFFC000  }
0x115: {  	_ =	swait.ge [sflag:s31], $0x800  }
0x116: {  	[sflag:s31] =	ssyncset.done $0x0  }
0x117: {  	s16 =	rddreg [dreg:$0x7];
	[sflag:s31] =	ssyncadd.s32 $0xFFFFF800  }
0x118: {  	[tilespmem:s21], [sflag:$0x2] =	stream.indirect.gather [hbm4b:s1+s18], $0x80, s16, s18, $0xb8;
	[tilespmem:$0x1FF00] =	vst v63  }
0x119: {  	_ = 	snop  }
0x11a: {  	[spmem:s3] =	stream.indirect.scatter.add.f32 [tilespmem:s19], [sflag:$0x3], $0x80, s0, s18, $0xb8;
	[tilespmem:$0x1FF00] =	vst v63  }
0x11b: {  	_ = 	snop  }
0x11c: {  	[spmem:s4] =	stream.indirect.scatter.add.f32 [tilespmem:s22], [sflag:$0x5], $0x10, s0, s18, $0xb8;
	[tilespmem:$0x1FF00] =	vst v63  }
0x11d: {  	_ =	swait.ge [sflag:s23], $0x4000  }
0x11e: {  	[sflag:s23] =	ssyncset.done $0x0  }
0x11f: {  	[sflag:s23] =	ssyncadd.s32 $0xFFFFC000  }
0x120: {  	_ =	swait.ge [sflag:s26], $0x4000  }
0x121: {  	[sflag:s26] =	ssyncset.done $0x0  }
0x122: {  	[sflag:s26] =	ssyncadd.s32 $0xFFFFC000  }
0x123: {  	_ =	swait.ge [sflag:s28], $0x800  }
0x124: {  	[sflag:s28] =	ssyncset.done $0x0  }
0x125: {  	s16 =	rddreg [dreg:$0x8];
	[sflag:s28] =	ssyncadd.s32 $0xFFFFF800  }
0x126: {  	[tilespmem:s19], [sflag:$0x1] =	stream.indirect.gather [hbm4b:s1+s18], $0x80, s16, s18, $0xb8;
	[tilespmem:$0x1FF00] =	vst v63  }
0x127: {  	_ = 	snop  }
0x128: {  	[spmem:s3] =	stream.indirect.scatter.add.f32 [tilespmem:s21], [sflag:$0x4], $0x80, s5, s18, $0xb8;
	[tilespmem:$0x1FF00] =	vst v63  }
0x129: {  	_ = 	snop  }
0x12a: {  	[spmem:s4] =	stream.indirect.scatter.add.f32 [tilespmem:s22], [sflag:$0x6], $0x10, s5, s18, $0xb8;
	[tilespmem:$0x1FF00] =	vst v63  }
0x12b: {  	_ =	swait.ge [sflag:s20], $0x4000  }
0x12c: {  	[sflag:s20] =	ssyncset.done $0x0  }
0x12d: {  	[sflag:s20] =	ssyncadd.s32 $0xFFFFC000  }
0x12e: {  	_ =	swait.ge [sflag:s30], $0x4000  }
0x12f: {  	[sflag:s30] =	ssyncset.done $0x0  }
0x130: {  	[sflag:s30] =	ssyncadd.s32 $0xFFFFC000  }
0x131: {  	_ =	swait.ge [sflag:s31], $0x800  }
0x132: {  	[sflag:s31] =	ssyncset.done $0x0  }
0x133: {  	s16 =	rddreg [dreg:$0x9];
	[sflag:s31] =	ssyncadd.s32 $0xFFFFF800  }
0x134: {  	[tilespmem:s21], [sflag:$0x2] =	stream.indirect.gather [hbm4b:s1+s18], $0x80, s16, s18, $0xb8;
	[tilespmem:$0x1FF00] =	vst v63  }
0x135: {  	_ = 	snop  }
0x136: {  	[spmem:s3] =	stream.indirect.scatter.add.f32 [tilespmem:s19], [sflag:$0x3], $0x80, s10, s18, $0xb8;
	[tilespmem:$0x1FF00] =	vst v63  }
0x137: {  	_ = 	snop  }
0x138: {  	[spmem:s4] =	stream.indirect.scatter.add.f32 [tilespmem:s22], [sflag:$0x5], $0x10, s10, s18, $0xb8;
	[tilespmem:$0x1FF00] =	vst v63  }
0x139: {  	_ =	swait.ge [sflag:s23], $0x4000  }
0x13a: {  	[sflag:s23] =	ssyncset.done $0x0  }
0x13b: {  	[sflag:s23] =	ssyncadd.s32 $0xFFFFC000  }
0x13c: {  	_ =	swait.ge [sflag:s26], $0x4000  }
0x13d: {  	[sflag:s26] =	ssyncset.done $0x0  }
0x13e: {  	[sflag:s26] =	ssyncadd.s32 $0xFFFFC000  }
0x13f: {  	_ =	swait.ge [sflag:s28], $0x800  }
0x140: {  	[sflag:s28] =	ssyncset.done $0x0  }
0x141: {  	s16 =	rddreg [dreg:$0xa];
	[sflag:s28] =	ssyncadd.s32 $0xFFFFF800  }
0x142: {  	[tilespmem:s19], [sflag:$0x1] =	stream.indirect.gather [hbm4b:s1+s18], $0x80, s16, s18, $0xb8;
	[tilespmem:$0x1FF00] =	vst v63  }
0x143: {  	_ = 	snop  }
0x144: {  	[spmem:s3] =	stream.indirect.scatter.add.f32 [tilespmem:s21], [sflag:$0x4], $0x80, s11, s18, $0xb8;
	[tilespmem:$0x1FF00] =	vst v63  }
0x145: {  	_ = 	snop  }
0x146: {  	[spmem:s4] =	stream.indirect.scatter.add.f32 [tilespmem:s22], [sflag:$0x6], $0x10, s11, s18, $0xb8;
	[tilespmem:$0x1FF00] =	vst v63  }
0x147: {  	_ =	swait.ge [sflag:s20], $0x4000  }
0x148: {  	[sflag:s20] =	ssyncset.done $0x0  }
0x149: {  	[sflag:s20] =	ssyncadd.s32 $0xFFFFC000  }
0x14a: {  	_ =	swait.ge [sflag:s30], $0x4000  }
0x14b: {  	[sflag:s30] =	ssyncset.done $0x0  }
0x14c: {  	[sflag:s30] =	ssyncadd.s32 $0xFFFFC000  }
0x14d: {  	_ =	swait.ge [sflag:s31], $0x800  }
0x14e: {  	[sflag:s31] =	ssyncset.done $0x0  }
0x14f: {  	s16 =	rddreg [dreg:$0xb];
	[sflag:s31] =	ssyncadd.s32 $0xFFFFF800  }
0x150: {  	[tilespmem:s21], [sflag:$0x2] =	stream.indirect.gather [hbm4b:s1+s18], $0x80, s16, s18, $0xb8;
	[tilespmem:$0x1FF00] =	vst v63  }
0x151: {  	_ = 	snop  }
0x152: {  	[spmem:s3] =	stream.indirect.scatter.add.f32 [tilespmem:s19], [sflag:$0x3], $0x80, s12, s18, $0xb8;
	[tilespmem:$0x1FF00] =	vst v63  }
0x153: {  	_ = 	snop  }
0x154: {  	[spmem:s4] =	stream.indirect.scatter.add.f32 [tilespmem:s22], [sflag:$0x5], $0x10, s12, s18, $0xb8;
	[tilespmem:$0x1FF00] =	vst v63  }
0x155: {  	_ =	swait.ge [sflag:s23], $0x4000  }
0x156: {  	[sflag:s23] =	ssyncset.done $0x0  }
0x157: {  	[sflag:s23] =	ssyncadd.s32 $0xFFFFC000  }
0x158: {  	_ =	swait.ge [sflag:s26], $0x4000  }
0x159: {  	[sflag:s26] =	ssyncset.done $0x0  }
0x15a: {  	[sflag:s26] =	ssyncadd.s32 $0xFFFFC000  }
0x15b: {  	_ =	swait.ge [sflag:s28], $0x800  }
0x15c: {  	[sflag:s28] =	ssyncset.done $0x0  }
0x15d: {  	s16 =	rddreg [dreg:$0xc];
	[sflag:s28] =	ssyncadd.s32 $0xFFFFF800  }
0x15e: {  	[tilespmem:s19], [sflag:$0x1] =	stream.indirect.gather [hbm4b:s1+s18], $0x80, s16, s18, $0xb8;
	[tilespmem:$0x1FF00] =	vst v63  }
0x15f: {  	_ = 	snop  }
0x160: {  	[spmem:s3] =	stream.indirect.scatter.add.f32 [tilespmem:s21], [sflag:$0x4], $0x80, s24, s18, $0xb8;
	[tilespmem:$0x1FF00] =	vst v63  }
0x161: {  	_ = 	snop  }
0x162: {  	[spmem:s4] =	stream.indirect.scatter.add.f32 [tilespmem:s22], [sflag:$0x6], $0x10, s24, s18, $0xb8;
	[tilespmem:$0x1FF00] =	vst v63  }
0x163: {  	_ =	swait.ge [sflag:s20], $0x4000  }
0x164: {  	[sflag:s20] =	ssyncset.done $0x0  }
0x165: {  	[sflag:s20] =	ssyncadd.s32 $0xFFFFC000  }
0x166: {  	_ =	swait.ge [sflag:s30], $0x4000  }
0x167: {  	[sflag:s30] =	ssyncset.done $0x0  }
0x168: {  	[sflag:s30] =	ssyncadd.s32 $0xFFFFC000  }
0x169: {  	_ =	swait.ge [sflag:s31], $0x800  }
0x16a: {  	[sflag:s31] =	ssyncset.done $0x0  }
0x16b: {  	s16 =	rddreg [dreg:$0xd];
	[sflag:s31] =	ssyncadd.s32 $0xFFFFF800  }
0x16c: {  	[tilespmem:s21], [sflag:$0x2] =	stream.indirect.gather [hbm4b:s1+s18], $0x80, s16, s18, $0xb8;
	[tilespmem:$0x1FF00] =	vst v63  }
0x16d: {  	_ = 	snop  }
0x16e: {  	[spmem:s3] =	stream.indirect.scatter.add.f32 [tilespmem:s19], [sflag:$0x3], $0x80, s25, s18, $0xb8;
	[tilespmem:$0x1FF00] =	vst v63  }
0x16f: {  	_ = 	snop  }
0x170: {  	[spmem:s4] =	stream.indirect.scatter.add.f32 [tilespmem:s22], [sflag:$0x5], $0x10, s25, s18, $0xb8;
	[tilespmem:$0x1FF00] =	vst v63  }
0x171: {  	_ =	swait.ge [sflag:s23], $0x4000  }
0x172: {  	[sflag:s23] =	ssyncset.done $0x0  }
0x173: {  	[sflag:s23] =	ssyncadd.s32 $0xFFFFC000  }
0x174: {  	_ =	swait.ge [sflag:s26], $0x4000  }
0x175: {  	[sflag:s26] =	ssyncset.done $0x0  }
0x176: {  	[sflag:s26] =	ssyncadd.s32 $0xFFFFC000  }
0x177: {  	_ =	swait.ge [sflag:s28], $0x800  }
0x178: {  	[sflag:s28] =	ssyncset.done $0x0  }
0x179: {  	[sflag:s28] =	ssyncadd.s32 $0xFFFFF800  }
0x17a: {  	[spmem:s3] =	stream.indirect.scatter.add.f32 [tilespmem:s21], [sflag:$0x4], $0x80, s9, s18, $0xb8;
	[tilespmem:$0x1FF00] =	vst v63  }
0x17b: {  	p1 =	sne.s32 s14, $0x1  }
0x17c: {  	[spmem:s4] =	stream.indirect.scatter.add.f32 [tilespmem:s22], [sflag:$0x6], $0x10, s9, s18, $0xb8;
	[tilespmem:$0x1FF00] =	vst v63  }
.Ltmp6:
0x17d: {  	_ =	swait.ge [sflag:s30], $0x4000;
	(pc) =	sbr.rel @p1 .LBB2_13-.Ltmp6, $4  }
0x17e: {  	[sflag:s30] =	ssyncset.done $0x0  }
0x17f: {  	[sflag:s30] =	ssyncadd.s32 $0xFFFFC000  }
0x180: {  	s13 =	sadd.s32 $0xA000, s13;
	_ =	swait.ge [sflag:s31], $0x800  }
0x181: {  	s14 =	sadd.s32 $0xFFFFFFFF, s14;
	s16 =	sshrl.u32 s13, $0x3;
	[sflag:s31] =	ssyncset.done $0x0  }
0x182: {  	s14 =	rddreg [dreg:$0x16]  }
.LBB2_15:
0x183: {  	s2 =	sadd.s32 s7, s16;
	[sflag:s31] =	ssyncadd.s32 @p0 $0xFFFFF800  }
0x184: {  	[tilespmem:s6], [sflag:$0x7] =	stream.linear.gather [hbm4b:s2+s6], $0x500, $0x38;
	[tilespmem:$0x1FF00] =	vst v63  }
0x185: {  	s16 =	sadd.s32 $0x4E200, s13;
	_ =	swait.ge [sflag:s15], $0x500  }
0x186: {  	s2 =	sshrl.u32 s16, $0x3;
	[sflag:s15] =	ssyncset.done $0x0  }
0x187: {  	s2 =	sadd.s32 s7, s2;
	[sflag:s15] =	ssyncadd.s32 $0xFFFFFB00  }
0x188: {  	[tilespmem:s17], [sflag:$0x7] =	stream.linear.gather [hbm4b:s2+s6], $0x500, $0x38;
	[tilespmem:$0x1FF00] =	vst v63  }
0x189: {  	_ =	swait.ge [sflag:s15], $0x500  }
0x18a: {  	[sflag:s15] =	ssyncset.done $0x0  }
0x18b: {  	[sflag:s15] =	ssyncadd.s32 $0xFFFFFB00  }
0x18c: {  	[tilespmem:s19], [sflag:$0x1] =	stream.indirect.gather [hbm4b:s1+s18], $0x80, s6, s18, $0xb8;
	[tilespmem:$0x1FF00] =	vst v63  }
0x18d: {  	_ =	swait.ge [sflag:s20], $0x4000  }
0x18e: {  	[sflag:s20] =	ssyncset.done $0x0  }
0x18f: {  	[sflag:s20] =	ssyncadd.s32 $0xFFFFC000  }
0x190: {  	[tilespmem:s21], [sflag:$0x2] =	stream.indirect.gather [hbm4b:s1+s18], $0x80, s18, s18, $0xb8;
	[tilespmem:$0x1FF00] =	vst v63  }
0x191: {  	_ = 	snop  }
0x192: {  	[spmem:s3] =	stream.indirect.scatter.add.f32 [tilespmem:s19], [sflag:$0x3], $0x80, s17, s18, $0xb8;
	[tilespmem:$0x1FF00] =	vst v63  }
0x193: {  	_ = 	snop  }
0x194: {  	[spmem:s4] =	stream.indirect.scatter.add.f32 [tilespmem:s22], [sflag:$0x5], $0x10, s17, s18, $0xb8;
	[tilespmem:$0x1FF00] =	vst v63  }
0x195: {  	_ =	swait.ge [sflag:s23], $0x4000  }
0x196: {  	[sflag:s23] =	ssyncset.done $0x0  }
0x197: {  	[sflag:s23] =	ssyncadd.s32 $0xFFFFC000  }
0x198: {  	_ =	swait.ge [sflag:s26], $0x4000  }
0x199: {  	[sflag:s26] =	ssyncset.done $0x0  }
0x19a: {  	[sflag:s26] =	ssyncadd.s32 $0xFFFFC000  }
0x19b: {  	_ =	swait.ge [sflag:s28], $0x800  }
0x19c: {  	[sflag:s28] =	ssyncset.done $0x0  }
0x19d: {  	s13 =	rddreg [dreg:$0x6];
	[sflag:s28] =	ssyncadd.s32 $0xFFFFF800  }
0x19e: {  	[tilespmem:s19], [sflag:$0x1] =	stream.indirect.gather [hbm4b:s1+s18], $0x80, s13, s18, $0xb8;
	[tilespmem:$0x1FF00] =	vst v63  }
0x19f: {  	_ = 	snop  }
0x1a0: {  	[spmem:s3] =	stream.indirect.scatter.add.f32 [tilespmem:s21], [sflag:$0x4], $0x80, s29, s18, $0xb8;
	[tilespmem:$0x1FF00] =	vst v63  }
0x1a1: {  	_ = 	snop  }
0x1a2: {  	[spmem:s4] =	stream.indirect.scatter.add.f32 [tilespmem:s22], [sflag:$0x6], $0x10, s29, s18, $0xb8;
	[tilespmem:$0x1FF00] =	vst v63  }
0x1a3: {  	_ =	swait.ge [sflag:s20], $0x4000  }
0x1a4: {  	[sflag:s20] =	ssyncset.done $0x0  }
0x1a5: {  	[sflag:s20] =	ssyncadd.s32 $0xFFFFC000  }
0x1a6: {  	_ =	swait.ge [sflag:s30], $0x4000  }
0x1a7: {  	[sflag:s30] =	ssyncset.done $0x0  }
0x1a8: {  	[sflag:s30] =	ssyncadd.s32 $0xFFFFC000  }
0x1a9: {  	_ =	swait.ge [sflag:s31], $0x800  }
0x1aa: {  	[sflag:s31] =	ssyncset.done $0x0  }
0x1ab: {  	s16 =	rddreg [dreg:$0x7];
	[sflag:s31] =	ssyncadd.s32 $0xFFFFF800  }
0x1ac: {  	[tilespmem:s21], [sflag:$0x2] =	stream.indirect.gather [hbm4b:s1+s18], $0x80, s16, s18, $0xb8;
	[tilespmem:$0x1FF00] =	vst v63  }
0x1ad: {  	_ = 	snop  }
0x1ae: {  	[spmem:s3] =	stream.indirect.scatter.add.f32 [tilespmem:s19], [sflag:$0x3], $0x80, s0, s18, $0xb8;
	[tilespmem:$0x1FF00] =	vst v63  }
0x1af: {  	_ = 	snop  }
0x1b0: {  	[spmem:s4] =	stream.indirect.scatter.add.f32 [tilespmem:s22], [sflag:$0x5], $0x10, s0, s18, $0xb8;
	[tilespmem:$0x1FF00] =	vst v63  }
0x1b1: {  	_ =	swait.ge [sflag:s23], $0x4000  }
0x1b2: {  	[sflag:s23] =	ssyncset.done $0x0  }
0x1b3: {  	[sflag:s23] =	ssyncadd.s32 $0xFFFFC000  }
0x1b4: {  	_ =	swait.ge [sflag:s26], $0x4000  }
0x1b5: {  	[sflag:s26] =	ssyncset.done $0x0  }
0x1b6: {  	[sflag:s26] =	ssyncadd.s32 $0xFFFFC000  }
0x1b7: {  	_ =	swait.ge [sflag:s28], $0x800  }
0x1b8: {  	[sflag:s28] =	ssyncset.done $0x0  }
0x1b9: {  	s7 =	rddreg [dreg:$0x8];
	[sflag:s28] =	ssyncadd.s32 $0xFFFFF800  }
0x1ba: {  	[tilespmem:s19], [sflag:$0x1] =	stream.indirect.gather [hbm4b:s1+s18], $0x80, s7, s18, $0xb8;
	[tilespmem:$0x1FF00] =	vst v63  }
0x1bb: {  	_ = 	snop  }
0x1bc: {  	[spmem:s3] =	stream.indirect.scatter.add.f32 [tilespmem:s21], [sflag:$0x4], $0x80, s5, s18, $0xb8;
	[tilespmem:$0x1FF00] =	vst v63  }
0x1bd: {  	_ = 	snop  }
0x1be: {  	[spmem:s4] =	stream.indirect.scatter.add.f32 [tilespmem:s22], [sflag:$0x6], $0x10, s5, s18, $0xb8;
	[tilespmem:$0x1FF00] =	vst v63  }
0x1bf: {  	_ =	swait.ge [sflag:s20], $0x4000  }
0x1c0: {  	[sflag:s20] =	ssyncset.done $0x0  }
0x1c1: {  	[sflag:s20] =	ssyncadd.s32 $0xFFFFC000  }
0x1c2: {  	_ =	swait.ge [sflag:s30], $0x4000  }
0x1c3: {  	[sflag:s30] =	ssyncset.done $0x0  }
0x1c4: {  	[sflag:s30] =	ssyncadd.s32 $0xFFFFC000  }
0x1c5: {  	_ =	swait.ge [sflag:s31], $0x800  }
0x1c6: {  	[sflag:s31] =	ssyncset.done $0x0  }
0x1c7: {  	s13 =	rddreg [dreg:$0x9];
	[sflag:s31] =	ssyncadd.s32 $0xFFFFF800  }
0x1c8: {  	[tilespmem:s21], [sflag:$0x2] =	stream.indirect.gather [hbm4b:s1+s18], $0x80, s13, s18, $0xb8;
	[tilespmem:$0x1FF00] =	vst v63  }
0x1c9: {  	_ = 	snop  }
0x1ca: {  	[spmem:s3] =	stream.indirect.scatter.add.f32 [tilespmem:s19], [sflag:$0x3], $0x80, s10, s18, $0xb8;
	[tilespmem:$0x1FF00] =	vst v63  }
0x1cb: {  	_ = 	snop  }
0x1cc: {  	[spmem:s4] =	stream.indirect.scatter.add.f32 [tilespmem:s22], [sflag:$0x5], $0x10, s10, s18, $0xb8;
	[tilespmem:$0x1FF00] =	vst v63  }
0x1cd: {  	_ =	swait.ge [sflag:s23], $0x4000  }
0x1ce: {  	[sflag:s23] =	ssyncset.done $0x0  }
0x1cf: {  	[sflag:s23] =	ssyncadd.s32 $0xFFFFC000  }
0x1d0: {  	_ =	swait.ge [sflag:s26], $0x4000  }
0x1d1: {  	[sflag:s26] =	ssyncset.done $0x0  }
0x1d2: {  	[sflag:s26] =	ssyncadd.s32 $0xFFFFC000  }
0x1d3: {  	_ =	swait.ge [sflag:s28], $0x800  }
0x1d4: {  	[sflag:s28] =	ssyncset.done $0x0  }
0x1d5: {  	s16 =	rddreg [dreg:$0xa];
	[sflag:s28] =	ssyncadd.s32 $0xFFFFF800  }
0x1d6: {  	[tilespmem:s19], [sflag:$0x1] =	stream.indirect.gather [hbm4b:s1+s18], $0x80, s16, s18, $0xb8;
	[tilespmem:$0x1FF00] =	vst v63  }
0x1d7: {  	_ = 	snop  }
0x1d8: {  	[spmem:s3] =	stream.indirect.scatter.add.f32 [tilespmem:s21], [sflag:$0x4], $0x80, s11, s18, $0xb8;
	[tilespmem:$0x1FF00] =	vst v63  }
0x1d9: {  	_ = 	snop  }
0x1da: {  	[spmem:s4] =	stream.indirect.scatter.add.f32 [tilespmem:s22], [sflag:$0x6], $0x10, s11, s18, $0xb8;
	[tilespmem:$0x1FF00] =	vst v63  }
0x1db: {  	_ =	swait.ge [sflag:s20], $0x4000  }
0x1dc: {  	[sflag:s20] =	ssyncset.done $0x0  }
0x1dd: {  	[sflag:s20] =	ssyncadd.s32 $0xFFFFC000  }
0x1de: {  	_ =	swait.ge [sflag:s30], $0x4000  }
0x1df: {  	[sflag:s30] =	ssyncset.done $0x0  }
0x1e0: {  	[sflag:s30] =	ssyncadd.s32 $0xFFFFC000  }
0x1e1: {  	_ =	swait.ge [sflag:s31], $0x800  }
0x1e2: {  	[sflag:s31] =	ssyncset.done $0x0  }
0x1e3: {  	s7 =	rddreg [dreg:$0xb];
	[sflag:s31] =	ssyncadd.s32 $0xFFFFF800  }
0x1e4: {  	[tilespmem:s21], [sflag:$0x2] =	stream.indirect.gather [hbm4b:s1+s18], $0x80, s7, s18, $0xb8;
	[tilespmem:$0x1FF00] =	vst v63  }
0x1e5: {  	_ = 	snop  }
0x1e6: {  	[spmem:s3] =	stream.indirect.scatter.add.f32 [tilespmem:s19], [sflag:$0x3], $0x80, s12, s18, $0xb8;
	[tilespmem:$0x1FF00] =	vst v63  }
0x1e7: {  	_ = 	snop  }
0x1e8: {  	[spmem:s4] =	stream.indirect.scatter.add.f32 [tilespmem:s22], [sflag:$0x5], $0x10, s12, s18, $0xb8;
	[tilespmem:$0x1FF00] =	vst v63  }
0x1e9: {  	_ =	swait.ge [sflag:s23], $0x4000  }
0x1ea: {  	[sflag:s23] =	ssyncset.done $0x0  }
0x1eb: {  	[sflag:s23] =	ssyncadd.s32 $0xFFFFC000  }
0x1ec: {  	_ =	swait.ge [sflag:s26], $0x4000  }
0x1ed: {  	[sflag:s26] =	ssyncset.done $0x0  }
0x1ee: {  	[sflag:s26] =	ssyncadd.s32 $0xFFFFC000  }
0x1ef: {  	_ =	swait.ge [sflag:s28], $0x800  }
0x1f0: {  	[sflag:s28] =	ssyncset.done $0x0  }
0x1f1: {  	s13 =	rddreg [dreg:$0xc];
	[sflag:s28] =	ssyncadd.s32 $0xFFFFF800  }
0x1f2: {  	[tilespmem:s19], [sflag:$0x1] =	stream.indirect.gather [hbm4b:s1+s18], $0x80, s13, s18, $0xb8;
	[tilespmem:$0x1FF00] =	vst v63  }
0x1f3: {  	_ = 	snop  }
0x1f4: {  	[spmem:s3] =	stream.indirect.scatter.add.f32 [tilespmem:s21], [sflag:$0x4], $0x80, s24, s18, $0xb8;
	[tilespmem:$0x1FF00] =	vst v63  }
0x1f5: {  	_ = 	snop  }
0x1f6: {  	[spmem:s4] =	stream.indirect.scatter.add.f32 [tilespmem:s22], [sflag:$0x6], $0x10, s24, s18, $0xb8;
	[tilespmem:$0x1FF00] =	vst v63  }
0x1f7: {  	_ =	swait.ge [sflag:s20], $0x4000  }
0x1f8: {  	[sflag:s20] =	ssyncset.done $0x0  }
0x1f9: {  	[sflag:s20] =	ssyncadd.s32 $0xFFFFC000  }
0x1fa: {  	_ =	swait.ge [sflag:s30], $0x4000  }
0x1fb: {  	[sflag:s30] =	ssyncset.done $0x0  }
0x1fc: {  	[sflag:s30] =	ssyncadd.s32 $0xFFFFC000  }
0x1fd: {  	_ =	swait.ge [sflag:s31], $0x800  }
0x1fe: {  	[sflag:s31] =	ssyncset.done $0x0  }
0x1ff: {  	s16 =	rddreg [dreg:$0xd];
	[sflag:s31] =	ssyncadd.s32 $0xFFFFF800  }
0x200: {  	[tilespmem:s21], [sflag:$0x2] =	stream.indirect.gather [hbm4b:s1+s18], $0x80, s16, s18, $0xb8;
	[tilespmem:$0x1FF00] =	vst v63  }
0x201: {  	_ = 	snop  }
0x202: {  	[spmem:s3] =	stream.indirect.scatter.add.f32 [tilespmem:s19], [sflag:$0x3], $0x80, s25, s18, $0xb8;
	[tilespmem:$0x1FF00] =	vst v63  }
0x203: {  	_ = 	snop  }
0x204: {  	[spmem:s4] =	stream.indirect.scatter.add.f32 [tilespmem:s22], [sflag:$0x5], $0x10, s25, s18, $0xb8;
	[tilespmem:$0x1FF00] =	vst v63  }
0x205: {  	_ =	swait.ge [sflag:s23], $0x4000  }
0x206: {  	[sflag:s23] =	ssyncset.done $0x0  }
0x207: {  	[sflag:s23] =	ssyncadd.s32 $0xFFFFC000  }
0x208: {  	_ =	swait.ge [sflag:s26], $0x4000  }
0x209: {  	[sflag:s26] =	ssyncset.done $0x0  }
0x20a: {  	[sflag:s26] =	ssyncadd.s32 $0xFFFFC000  }
0x20b: {  	_ =	swait.ge [sflag:s28], $0x800  }
0x20c: {  	[sflag:s28] =	ssyncset.done $0x0  }
0x20d: {  	[sflag:s28] =	ssyncadd.s32 $0xFFFFF800  }
0x20e: {  	[spmem:s3] =	stream.indirect.scatter.add.f32 [tilespmem:s21], [sflag:$0x4], $0x80, s9, s18, $0xb8;
	[tilespmem:$0x1FF00] =	vst v63  }
0x20f: {  	_ = 	snop  }
0x210: {  	[spmem:s4] =	stream.indirect.scatter.add.f32 [tilespmem:s22], [sflag:$0x6], $0x10, s9, s18, $0xb8;
	[tilespmem:$0x1FF00] =	vst v63  }
0x211: {  	_ =	swait.ge [sflag:s30], $0x4000  }
0x212: {  	[sflag:s30] =	ssyncset.done $0x0  }
0x213: {  	[sflag:s30] =	ssyncadd.s32 $0xFFFFC000  }
0x214: {  	_ =	swait.ge [sflag:s31], $0x800  }
0x215: {  	[sflag:s31] =	ssyncset.done $0x0  }
0x216: {  	[sflag:s31] =	ssyncadd.s32 $0xFFFFF800  }
0x217: {  	s7 =	stileid.u32;
	[bflag:$0x0] =	sbarrier.arrive $0xFFFF  }
0x218: {  	s2 =	sshll.u32 s7, $0x6;
	s13 =	rddreg [dreg:$0x11]  }
0x219: {  	s2 =	sor.u32 $0x1C07, s2;
	s16 =	rddreg [dreg:$0x14]  }
0x21a: {  	[hbm:s13], [sflag:s2] =	dma.local [spmem:s16], $0x2800  }
0x21b: {  	_ =	swait.ge [sflag:s15], $0x2800  }
0x21c: {  	[sflag:s15] =	ssyncset.done $0x0;
	s13 =	rddreg [dreg:$0x12]  }
0x21d: {  	s16 =	rddreg [dreg:$0x15];
	[sflag:s15] =	ssyncadd.s32 $0xFFFFD800  }
0x21e: {  	[hbm:s13], [sflag:s2] =	dma.local [spmem:s16], $0x500  }
0x21f: {  	_ =	swait.ge [sflag:s15], $0x500  }
0x220: {  	s14 =	sadd.s32 $0x1, s14;
	s16 =	rddreg [dreg:$0x10]  }
0x221: {  	p0 =	sne.s32 s14, s16  }
.Ltmp7:
0x222: {  	_ = 	snop;
	(pc) =	sbr.rel @p0 .LBB2_1-.Ltmp7, $4  }
.Ltmp8:
0x223: {  	_ = 	snop;
	(pc) =	sbr.rel @!p0 .LBB2_16-.Ltmp8, $4  }
0x224: {  	_ = 	snop  }
0x225: {  	[sflag:s15] =	ssyncset.done $0x0  }
0x226: {  	s7 =	rddreg [dreg:$0xe];
	[sflag:s15] =	ssyncadd.s32 $0xFFFFFB00  }
0x227: {  	_ = 	snop  }
.LBB2_10:
.Ltmp9:
0x228: {  	(pc) =	sbr.rel .LBB2_15-.Ltmp9, $2  }
0x229: {  	_ =	sdelay $0x2  }
0x22a: {  	s13 =	smov.u32 s14;
	s14 =	rddreg [dreg:$0x16]  }
.LBB2_12:
.Ltmp10:
0x22b: {  	(pc) =	sbr.rel .LBB2_15-.Ltmp10, $2  }
0x22c: {  	_ =	sdelay $0x2  }
0x22d: {  	s14 =	rddreg [dreg:$0x16]  }
.LBB2_16:
0x22e: {  	_ =	sfence.sel $0x180000  }
0x22f: {  	[bflag:$0x0] =	sbarrier.arrive $0xFFFF  }
0x230: {  	_ =	strace $0x90000047  }
0x231: {  	s0 =	stileid.u32;
	[bflag:$0x2] =	sbarrier.arrive $0xFFFF  }
0x232: {  	p0 =	sne.s32 s0, $0x0;
	s0 =	rddreg [dreg:$0x5]  }
0x233: {  	s0 =	sadd.s32 @!p0 $0x100000, s0  }
0x234: {  	[sflag:s0] =	ssyncadd.tile.s32 @!p0 $0x1;
	_ =	shalt  }
.Lfunc_end2:
_tile_overlayer_lowered:
.L_overlay_start_2:
0x235: {  	(tag) =	ssettag $0x2  }
0x236: {  	s0 =	rddreg [dreg:$0x0];
	s2 =	stileid.u32  }
0x237: {  	s1 =	rddreg [dreg:$0x1];
	p0 =	sne.s32 s2, $0x0  }
0x238: {  	s3 =	rddreg [dreg:$0x2];
	[bflag:$0x3] =	sbarrier.arrive $0xFFFF;
	s2 =	simm.s32 @!p0 $0x1C07  }
0x239: {  	[timem:s3], [sflag:s2] =	dma.local @!p0 [hbm:s0], s1  }
0x23a: {  	s0 =	simm.s32 @!p0 $0x7  }
0x23b: {  	_ =	swait.ge @!p0 [sflag:s0], s1  }
0x23c: {  	s1 =	ssub.s32 @!p0 $0x0, s1;
	[sflag:s0] =	ssyncset.done @!p0 $0x0  }
0x23d: {  	[sflag:s0] =	ssyncadd.s32 @!p0 s1  }
0x23e: {  	[bflag:$0x3] =	sbarrier.arrive $0xFFFF  }
0x23f: {  	_ =	shalt  }

</sc_bundles>
